<compile_context>
chip_gen: v7x
topology: tpu7x:2x2x1
jax: 0.10.2.dev20260603
libtpu: 0.0.44.dev20260713+nightly
codegen_flags: <defaults>
</compile_context>

<pallas_src>
import functools

import jax
import jax.numpy as jnp
from jax import lax
from jax.experimental import pallas as pl
from jax.experimental.pallas import tpu as pltpu
from jax.experimental.pallas import tpu_sc as plsc

N = 10000
D = 128
E = 320000
NC, NS = 2, 16
NW = NC * NS
EW = E // NW
CH = 104
NCHUNK = EW // CH
TAILE = EW - NCHUNK * CH
NBUF = 3
NITER = NCHUNK // NBUF
RPT = 624
TAIL = N - NS * RPT
RB = 1000

_mesh = plsc.VectorSubcoreMesh(core_axis_name="c", subcore_axis_name="s")


@functools.partial(
    pl.kernel,
    out_type=jax.ShapeDtypeStruct((NW * N,), jnp.float32),
    mesh=_mesh,
    compiler_params=pltpu.CompilerParams(needs_layout_passes=False),
    scratch_types=[
        pltpu.VMEM((EW,), jnp.int32),
        pltpu.VMEM((N,), jnp.float32),
    ],
)
def _deg_kernel(dst_hbm, out_hbm, idx_v, deg_v):
    c = lax.axis_index("c")
    s = lax.axis_index("s")
    w = s * NC + c

    zeros16 = jnp.zeros((16,), jnp.float32)

    def zbody(i, carry):
        deg_v[pl.ds(i * 16, 16)] = zeros16
        return carry

    lax.fori_loop(0, N // 16, zbody, 0)

    off = pl.multiple_of(w * EW, 8)
    pltpu.sync_copy(dst_hbm.at[pl.ds(off, EW)], idx_v)

    ones16 = jnp.ones((16,), jnp.float32)

    def body(i, carry):
        idx = idx_v[pl.ds(i * 16, 16)]
        plsc.addupdate_scatter(deg_v, [idx], ones16)
        return carry

    lax.fori_loop(0, EW // 16, body, 0)
    oof = pl.multiple_of(w * N, 8)
    pltpu.sync_copy(deg_v, out_hbm.at[pl.ds(oof, N)])


@functools.partial(
    pl.kernel,
    out_type=jax.ShapeDtypeStruct((NC, N, D), jnp.float32),
    mesh=_mesh,
    compiler_params=pltpu.CompilerParams(needs_layout_passes=False),
    scratch_types=[
        [pltpu.VMEM((2 * NBUF, CH), jnp.int32)] * 2,
        pltpu.VMEM((TAILE,), jnp.int32),
        pltpu.VMEM((TAILE,), jnp.int32),
        [pltpu.VMEM((CH, D), jnp.float32)] * NBUF,
        pltpu.VMEM_SHARED((N, D), jnp.float32),
        [pltpu.SemaphoreType.DMA] * NBUF,
        [pltpu.SemaphoreType.DMA] * NBUF,
        [pltpu.SemaphoreType.DMA] * 2,
    ],
)
def _edge_kernel(hp_hbm, il_hbm, src_hbm, dst_hbm, out_hbm,
                 ibuf, sidx_t, didx_t, rows, acc, gsem, ssem, isem):
    c = lax.axis_index("c")
    s = lax.axis_index("s")
    w = s * NC + c
    ebase = pl.multiple_of(w * EW, 8)
    rbase = s * RPT
    ilbase = w * NITER

    zeros16 = jnp.zeros((16,), jnp.float32)

    def zr(i, carry):
        rows[0][i // 8, pl.ds((i % 8) * 16, 16)] = zeros16
        return carry

    lax.fori_loop(0, CH * 8, zr, 0)

    def zacc(k, carry):
        pltpu.sync_copy(rows[0], acc.at[pl.ds(rbase + k * CH, CH)])
        return carry

    lax.fori_loop(0, RPT // CH, zacc, 0)
    rem = RPT - (RPT // CH) * CH
    if rem:
        pltpu.sync_copy(rows[0].at[pl.ds(0, rem)],
                        acc.at[pl.ds(rbase + RPT - rem, rem)])

    @pl.when(s == NS - 1)
    def _zero_tail():
        pltpu.sync_copy(rows[0].at[pl.ds(0, TAIL)],
                        acc.at[pl.ds(NS * RPT, TAIL)])

    plsc.subcore_barrier()

    def start_gather(b, buf):
        pltpu.async_copy(hp_hbm.at[buf.at[2 * b]], rows[b], gsem[b])

    def wait_gather(b):
        pltpu.make_async_copy(hp_hbm.at[ibuf[0].at[2 * b]], rows[b],
                              gsem[b]).wait()

    def start_scatter(b, buf):
        pltpu.async_copy(rows[b], acc.at[buf.at[2 * b + 1]], ssem[b],
                         add=True)

    def wait_scatter(b):
        pltpu.make_async_copy(rows[b], acc.at[ibuf[0].at[1]], ssem[b]).wait()

    def wait_iblock(p):
        pltpu.make_async_copy(il_hbm.at[ilbase], ibuf[p], isem[p]).wait()

    def one_iter(t, p, last):
        for b in range(NBUF):
            wait_gather(b)
            start_scatter(b, ibuf[p])
        if not last:
            wait_iblock(1 - p)
        for b in range(NBUF):
            wait_scatter(b)
            if not last:
                start_gather(b, ibuf[1 - p])
        if not last:
            blk = jnp.minimum(t + 2, NITER - 1)
            pltpu.async_copy(il_hbm.at[ilbase + blk], ibuf[p], isem[p])

    pltpu.sync_copy(il_hbm.at[ilbase], ibuf[0])
    for b in range(NBUF):
        start_gather(b, ibuf[0])
    pltpu.async_copy(il_hbm.at[ilbase + 1], ibuf[1], isem[1])

    def body(k, carry):
        one_iter(2 * k, 0, False)
        one_iter(2 * k + 1, 1, False)
        return carry

    lax.fori_loop(0, NITER // 2 - 1, body, 0)
    one_iter(NITER - 2, 0, False)
    one_iter(NITER - 1, 1, True)
    wait_iblock(0)

    toff = pl.multiple_of(ebase + NCHUNK * CH, 8)
    pltpu.sync_copy(src_hbm.at[pl.ds(toff, TAILE)], sidx_t)
    pltpu.async_copy(hp_hbm.at[sidx_t], rows[0].at[pl.ds(0, TAILE)],
                     gsem[0]).wait()
    pltpu.sync_copy(dst_hbm.at[pl.ds(toff, TAILE)], didx_t)
    pltpu.sync_copy(rows[0].at[pl.ds(0, TAILE)], acc.at[didx_t], add=True)

    plsc.subcore_barrier()
    pltpu.sync_copy(acc.at[pl.ds(rbase, RPT)],
                    out_hbm.at[c, pl.ds(rbase, RPT)])

    @pl.when(s == NS - 1)
    def _copy_tail():
        pltpu.sync_copy(acc.at[pl.ds(NS * RPT, TAIL)],
                        out_hbm.at[c, pl.ds(NS * RPT, TAIL)])


def _prep_body(x_ref, w_ref, degpt_ref, hp_ref, dis_ref):
    deg = jnp.sum(degpt_ref[...], axis=1)
    dis = jnp.where(deg > 0, lax.rsqrt(jnp.maximum(deg, 1e-12)), 0.0)
    h = jnp.dot(x_ref[...], w_ref[...], preferred_element_type=jnp.float32)
    hp_ref[...] = h * dis[:, None]
    dis_ref[...] = dis[:, None]


def _tc_prep(x, W, degpt):
    return pl.pallas_call(
        _prep_body,
        grid=(N // RB,),
        in_specs=[
            pl.BlockSpec((RB, D), lambda i: (i, 0)),
            pl.BlockSpec((D, D), lambda i: (0, 0)),
            pl.BlockSpec((RB, NW), lambda i: (i, 0)),
        ],
        out_specs=[
            pl.BlockSpec((RB, D), lambda i: (i, 0)),
            pl.BlockSpec((RB, 1), lambda i: (i, 0)),
        ],
        out_shape=[
            jax.ShapeDtypeStruct((N, D), jnp.float32),
            jax.ShapeDtypeStruct((N, 1), jnp.float32),
        ],
    )(x, W, degpt)


def _final_body(p0_ref, p1_ref, dis_ref, b_ref, w2_ref, b2_ref, out_ref):
    agg = (p0_ref[...] + p1_ref[...]) * dis_ref[...]
    hidden = jnp.maximum(agg + b_ref[...], 0.0)
    out_ref[...] = (jnp.sum(hidden * w2_ref[...], axis=1, keepdims=True)
                    + b2_ref[0, 0])


def _tc_final(p0, p1, dis, b, w2, b2):
    return pl.pallas_call(
        _final_body,
        grid=(N // RB,),
        in_specs=[
            pl.BlockSpec((RB, D), lambda i: (i, 0)),
            pl.BlockSpec((RB, D), lambda i: (i, 0)),
            pl.BlockSpec((RB, 1), lambda i: (i, 0)),
            pl.BlockSpec((1, D), lambda i: (0, 0)),
            pl.BlockSpec((1, D), lambda i: (0, 0)),
            pl.BlockSpec((1, 1), lambda i: (0, 0)),
        ],
        out_specs=pl.BlockSpec((RB, 1), lambda i: (i, 0)),
        out_shape=jax.ShapeDtypeStruct((N, 1), jnp.float32),
    )(p0, p1, dis, b, w2, b2)


def kernel(x, edge_index, W, b, W2, b2):
    ei = edge_index.astype(jnp.int32)
    src = ei[0]
    dst = ei[1]
    main = ei.reshape(2, NW, EW)[:, :, :NCHUNK * CH]
    main = main.reshape(2, NW, NITER, NBUF, CH)
    il = jnp.transpose(main, (1, 2, 3, 0, 4)).reshape(NW * NITER,
                                                      2 * NBUF, CH)
    degpt = _deg_kernel(dst).reshape(NW, N).T
    hp, dis = _tc_prep(x, W, degpt)
    paggs = _edge_kernel(hp, il, src, dst)
    return _tc_final(paggs[0], paggs[1], dis,
                     b.reshape(1, D), W2.reshape(1, D), b2.reshape(1, 1))

# --- scband reference (transcript-rebuilt; emitter-appended) ---
"""Pipeline reference for scband-different-models-38439957299902 (READ-ONLY COPY).

The authoritative reference and input builder live on the scoring server;
editing this copy changes nothing except your own understanding.
"""

import jax, jax.numpy as jnp
import numpy as np

N = 10000
E = 320000
D_IN = 128
D_HID = 128

def setup_inputs(seed: int = 0) -> dict:
    key = jax.random.key(seed)
    k1, k2, k3, k4 = jax.random.split(key, 4)
    x = jax.random.normal(k1, (N, D_IN), dtype=jnp.float32)
    edge_index = jax.random.randint(k2, (2, E), 0, N, dtype=jnp.int64)
    W = jax.random.normal(k3, (D_IN, D_HID), dtype=jnp.float32) * 0.05
    b = jnp.zeros((D_HID,), dtype=jnp.float32)
    W2 = jax.random.normal(k4, (D_HID, 1), dtype=jnp.float32) * 0.05
    b2 = jnp.zeros((1,), dtype=jnp.float32)
    return {"x": x, "edge_index": edge_index, "W": W, "b": b, "W2": W2, "b2": b2}

def reference(x, edge_index, W, b, W2, b2):
    # GCN-style normalized message passing (core of the TGCN/A3TGCN graph conv),
    # followed by ReLU activation and the 'aftermodel' Linear(d->1) head.
    src = edge_index[0]
    dst = edge_index[1]
    deg = jnp.zeros((N,), dtype=x.dtype).at[dst].add(1.0)
    deg_inv_sqrt = jnp.where(deg > 0, 1.0 / jnp.sqrt(jnp.maximum(deg, 1e-12)), 0.0)
    h = x @ W  # [N, D_HID]
    norm = (deg_inv_sqrt[src] * deg_inv_sqrt[dst])[:, None]  # [E, 1]
    msgs = jnp.take(h, src, axis=0) * norm                   # gather over edges
    agg = jnp.zeros_like(h).at[dst].add(msgs)                # scatter-add over edges
    hidden = jax.nn.relu(agg + b)
    out = hidden @ W2 + b2  # aftermodel: Linear(d -> 1)
    return out

if __name__ == "__main__":
    import jax
    _d = setup_inputs()
    print(jax.jit(kernel)(*tuple(_d.values())))

</pallas_src>

<mosaic_0001>
#map = affine_map<(d0, d1) -> (0)>
module attributes {stable_mosaic.version = 14 : i64} {
  func.func @_deg_kernel(%arg0: i32, %arg1: i32, %arg2: memref<320000xi32, #tpu.memory_space<hbm>>, %arg3: memref<320000xf32, #tpu.memory_space<hbm>>, %arg4: memref<10000xi32, #tpu.memory_space<vmem>>, %arg5: memref<10000xf32, #tpu.memory_space<vmem>>) attributes {dimension_semantics = [#tpu.dimension_semantics<core_parallel>, #tpu.dimension_semantics<subcore_parallel>], iteration_bounds = array<i64: 2, 16>, scalar_prefetch = 0 : i64, scratch_operands = 2 : i64, tpu.core_type = #tpu.core_type<sc_vector_subcore>, window_params = [{transform_indices = #map}, {transform_indices = #map}]} {
    %mul3A = arith.constant 2 : i32
    %mul3A_0 = arith.muli %arg1, %mul3A : i32
    %add3A = arith.addi %mul3A_0, %arg0 : i32
    %broadcast_in_dim3A = arith.constant 0.000000e+00 : f32
    %broadcast_in_dim3A_1 = vector.broadcast %broadcast_in_dim3A : f32 to vector<16xf32>
    %scan3A = arith.constant 0 : i32
    %scan3A_2 = arith.constant 0 : i32
    %scan3A_3 = arith.constant 625 : i32
    %scan3A_4 = arith.addi %scan3A_2, %scan3A_3 : i32
    %scan3A_5 = arith.constant 1 : i32
    scf.for %scan3A_20 = %scan3A_2 to %scan3A_4 step %scan3A_5  : i32 {
      %mul3A_21 = arith.constant 16 : i32
      %mul3A_22 = arith.muli %scan3A_20, %mul3A_21 : i32
      %swap3A = arith.index_cast %mul3A_22 : i32 to index
      %swap3A_23 = tpu.vector_load %arg5[%swap3A] {strides = array<i32>} : memref<10000xf32, #tpu.memory_space<vmem>>, vector<16xf32>,
      tpu.vector_store %arg5[%swap3A], %broadcast_in_dim3A_1 {strides = array<i32>} : memref<10000xf32, #tpu.memory_space<vmem>>, vector<16xf32>,
    }
    %scan3A_6 = arith.constant 625 : i32
    %mul3A_7 = arith.constant 10000 : i32
    %mul3A_8 = arith.muli %add3A, %mul3A_7 : i32
    %multiple_of3A = tpu.assume_multiple %mul3A_8, 8 : i32
    "tpu.region"() ({
      %run_scoped3A = tpu.sem_alloc : memref<!tpu.dma_semaphore, #tpu.memory_space<semaphore_mem>>
      %dma_start3A = tpu.memref_slice %arg2[%multiple_of3A] : memref<320000xi32, #tpu.memory_space<hbm>> -> memref<10000xi32, #tpu.memory_space<hbm>>
      %dma_start3A_20 = tpu.memref_slice %arg2[%multiple_of3A] : memref<320000xi32, #tpu.memory_space<hbm>> -> memref<10000xi32, #tpu.memory_space<hbm>>
      tpu.enqueue_dma source(%dma_start3A_20 : memref<10000xi32, #tpu.memory_space<hbm>>) target(%arg4 : memref<10000xi32, #tpu.memory_space<vmem>>) target_semaphore(%run_scoped3A : memref<!tpu.dma_semaphore, #tpu.memory_space<semaphore_mem>>)
      %dma_wait3A = tpu.memref_slice %arg2[%multiple_of3A] : memref<320000xi32, #tpu.memory_space<hbm>> -> memref<10000xi32, #tpu.memory_space<hbm>>
      %dma_wait3A_21 = tpu.memref_slice %arg2[%multiple_of3A] : memref<320000xi32, #tpu.memory_space<hbm>> -> memref<10000xi32, #tpu.memory_space<hbm>>
      tpu.wait_dma2 semaphore(%run_scoped3A : memref<!tpu.dma_semaphore, #tpu.memory_space<semaphore_mem>>) src(%dma_wait3A_21 : memref<10000xi32, #tpu.memory_space<hbm>>) dst(%arg4 : memref<10000xi32, #tpu.memory_space<vmem>>)
      tpu.yield
    }) : () -> ()
    %broadcast_in_dim3A_9 = arith.constant 1.000000e+00 : f32
    %broadcast_in_dim3A_10 = vector.broadcast %broadcast_in_dim3A_9 : f32 to vector<16xf32>
    %scan3A_11 = arith.constant 0 : i32
    %scan3A_12 = arith.constant 0 : i32
    %scan3A_13 = arith.constant 625 : i32
    %scan3A_14 = arith.addi %scan3A_12, %scan3A_13 : i32
    %scan3A_15 = arith.constant 1 : i32
    scf.for %scan3A_20 = %scan3A_12 to %scan3A_14 step %scan3A_15  : i32 {
      %mul3A_21 = arith.constant 16 : i32
      %mul3A_22 = arith.muli %scan3A_20, %mul3A_21 : i32
      %get3A = arith.index_cast %mul3A_22 : i32 to index
      %get3A_23 = tpu.vector_load %arg4[%get3A] {strides = array<i32>} : memref<10000xi32, #tpu.memory_space<vmem>>, vector<16xi32>,
      tpu.vector_store_idx %arg5[%get3A_23], %broadcast_in_dim3A_10 {add = true} : memref<10000xf32, #tpu.memory_space<vmem>>[vector<16xi32>], vector<16xf32>,
    }
    %scan3A_16 = arith.constant 625 : i32
    %mul3A_17 = arith.constant 10000 : i32
    %mul3A_18 = arith.muli %add3A, %mul3A_17 : i32
    %multiple_of3A_19 = tpu.assume_multiple %mul3A_18, 8 : i32
    "tpu.region"() ({
      %run_scoped3A = tpu.sem_alloc : memref<!tpu.dma_semaphore, #tpu.memory_space<semaphore_mem>>
      %dma_start3A = tpu.memref_slice %arg3[%multiple_of3A_19] : memref<320000xf32, #tpu.memory_space<hbm>> -> memref<10000xf32, #tpu.memory_space<hbm>>
      %dma_start3A_20 = tpu.memref_slice %arg3[%multiple_of3A_19] : memref<320000xf32, #tpu.memory_space<hbm>> -> memref<10000xf32, #tpu.memory_space<hbm>>
      tpu.enqueue_dma source(%arg5 : memref<10000xf32, #tpu.memory_space<vmem>>) target(%dma_start3A_20 : memref<10000xf32, #tpu.memory_space<hbm>>) target_semaphore(%run_scoped3A : memref<!tpu.dma_semaphore, #tpu.memory_space<semaphore_mem>>)
      %dma_wait3A = tpu.memref_slice %arg3[%multiple_of3A_19] : memref<320000xf32, #tpu.memory_space<hbm>> -> memref<10000xf32, #tpu.memory_space<hbm>>
      %dma_wait3A_21 = tpu.memref_slice %arg3[%multiple_of3A_19] : memref<320000xf32, #tpu.memory_space<hbm>> -> memref<10000xf32, #tpu.memory_space<hbm>>
      tpu.wait_dma2 semaphore(%run_scoped3A : memref<!tpu.dma_semaphore, #tpu.memory_space<semaphore_mem>>) src(%arg5 : memref<10000xf32, #tpu.memory_space<vmem>>) dst(%dma_wait3A_21 : memref<10000xf32, #tpu.memory_space<hbm>>)
      tpu.yield
    }) : () -> ()
    return
  }
}

#map = affine_map<(d0, d1) -> (0, 0)>
#map1 = affine_map<(d0, d1) -> (0, 0, 0)>
#map2 = affine_map<(d0, d1) -> (0)>
module attributes {stable_mosaic.version = 14 : i64} {
  func.func @_edge_kernel(%arg0: i32, %arg1: i32, %arg2: memref<10000x128xf32, #tpu.memory_space<hbm>>, %arg3: memref<1024x6x104xi32, #tpu.memory_space<hbm>>, %arg4: memref<320000xi32, #tpu.memory_space<hbm>>, %arg5: memref<320000xi32, #tpu.memory_space<hbm>>, %arg6: memref<2x10000x128xf32, #tpu.memory_space<hbm>>, %arg7: memref<6x104xi32, #tpu.memory_space<vmem>>, %arg8: memref<6x104xi32, #tpu.memory_space<vmem>>, %arg9: memref<16xi32, #tpu.memory_space<vmem>>, %arg10: memref<16xi32, #tpu.memory_space<vmem>>, %arg11: memref<104x128xf32, #tpu.memory_space<vmem>>, %arg12: memref<104x128xf32, #tpu.memory_space<vmem>>, %arg13: memref<104x128xf32, #tpu.memory_space<vmem>>, %arg14: memref<10000x128xf32, #tpu.memory_space<vmem_shared>>, %arg15: memref<!tpu.dma_semaphore, #tpu.memory_space<semaphore_mem>>, %arg16: memref<!tpu.dma_semaphore, #tpu.memory_space<semaphore_mem>>, %arg17: memref<!tpu.dma_semaphore, #tpu.memory_space<semaphore_mem>>, %arg18: memref<!tpu.dma_semaphore, #tpu.memory_space<semaphore_mem>>, %arg19: memref<!tpu.dma_semaphore, #tpu.memory_space<semaphore_mem>>, %arg20: memref<!tpu.dma_semaphore, #tpu.memory_space<semaphore_mem>>, %arg21: memref<!tpu.dma_semaphore, #tpu.memory_space<semaphore_mem>>, %arg22: memref<!tpu.dma_semaphore, #tpu.memory_space<semaphore_mem>>) attributes {dimension_semantics = [#tpu.dimension_semantics<core_parallel>, #tpu.dimension_semantics<subcore_parallel>], iteration_bounds = array<i64: 2, 16>, scalar_prefetch = 0 : i64, scratch_operands = 16 : i64, tpu.core_type = #tpu.core_type<sc_vector_subcore>, window_params = [{transform_indices = #map}, {transform_indices = #map1}, {transform_indices = #map2}, {transform_indices = #map2}, {transform_indices = #map1}]} {
    %mul3A = arith.constant 2 : i32
    %mul3A_0 = arith.muli %arg1, %mul3A : i32
    %add3A = arith.addi %mul3A_0, %arg0 : i32
    %mul3A_1 = arith.constant 10000 : i32
    %mul3A_2 = arith.muli %add3A, %mul3A_1 : i32
    %multiple_of3A = tpu.assume_multiple %mul3A_2, 8 : i32
    %mul3A_3 = arith.constant 624 : i32
    %mul3A_4 = arith.muli %arg1, %mul3A_3 : i32
    %mul3A_5 = arith.constant 32 : i32
    %mul3A_6 = arith.muli %add3A, %mul3A_5 : i32
    %broadcast_in_dim3A = arith.constant 0.000000e+00 : f32
    %broadcast_in_dim3A_7 = vector.broadcast %broadcast_in_dim3A : f32 to vector<16xf32>
    %scan3A = arith.constant 0 : i32
    %scan3A_8 = arith.constant 0 : i32
    %scan3A_9 = arith.constant 832 : i32
    %scan3A_10 = arith.addi %scan3A_8, %scan3A_9 : i32
    %scan3A_11 = arith.constant 1 : i32
    scf.for %scan3A_251 = %scan3A_8 to %scan3A_10 step %scan3A_11  : i32 {
      %jit3A = arith.constant 8 : i32
      %div3A = arith.divsi %scan3A_251, %jit3A : i32
      %sign3A = arith.constant 0 : i32
      %sign3A_252 = arith.cmpi sgt, %scan3A_251, %sign3A : i32
      %sign3A_253 = arith.extui %sign3A_252 : i1 to i32
      %sign3A_254 = arith.constant 0 : i32
      %sign3A_255 = arith.cmpi slt, %scan3A_251, %sign3A_254 : i32
      %sign3A_256 = arith.extui %sign3A_255 : i1 to i32
      %sign3A_257 = arith.subi %sign3A_253, %sign3A_256 : i32
      %sign3A_258 = arith.constant 0 : i32
      %sign3A_259 = arith.cmpi sgt, %jit3A, %sign3A_258 : i32
      %sign3A_260 = arith.extui %sign3A_259 : i1 to i32
      %sign3A_261 = arith.constant 0 : i32
      %sign3A_262 = arith.cmpi slt, %jit3A, %sign3A_261 : i32
      %sign3A_263 = arith.extui %sign3A_262 : i1 to i32
      %sign3A_264 = arith.subi %sign3A_260, %sign3A_263 : i32
      %ne3A = arith.cmpi ne, %sign3A_257, %sign3A_264 : i32
      %rem3A = arith.remsi %scan3A_251, %jit3A : i32
      %ne3A_265 = arith.constant 0 : i32
      %ne3A_266 = arith.cmpi ne, %rem3A, %ne3A_265 : i32
      %and3A = arith.andi %ne3A, %ne3A_266 : i1
      %sub3A = arith.constant 1 : i32
      %sub3A_267 = arith.subi %div3A, %sub3A : i32
      %select_n3A = arith.select %and3A, %sub3A_267, %div3A : i32
      %jit3A_268 = arith.constant 8 : i32
      %eq3A_269 = arith.constant 0 : i32
      %eq3A_270 = arith.cmpi eq, %jit3A_268, %eq3A_269 : i32
      %jit3A_271 = arith.constant 1 : i32
      %select_n3A_272 = arith.select %eq3A_270, %jit3A_271, %jit3A_268 : i32
      %rem3A_273 = arith.remsi %scan3A_251, %select_n3A_272 : i32
      %ne3A_274 = arith.constant 0 : i32
      %ne3A_275 = arith.cmpi ne, %rem3A_273, %ne3A_274 : i32
      %lt3A = arith.constant 0 : i32
      %lt3A_276 = arith.cmpi slt, %rem3A_273, %lt3A : i32
      %lt3A_277 = arith.constant 0 : i32
      %lt3A_278 = arith.cmpi slt, %select_n3A_272, %lt3A_277 : i32
      %ne3A_279 = arith.xori %lt3A_276, %lt3A_278 : i1
      %and3A_280 = arith.andi %ne3A_279, %ne3A_275 : i1
      %add3A_281 = arith.addi %rem3A_273, %select_n3A_272 : i32
      %select_n3A_282 = arith.select %and3A_280, %add3A_281, %rem3A_273 : i32
      %mul3A_283 = arith.constant 16 : i32
      %mul3A_284 = arith.muli %select_n3A_282, %mul3A_283 : i32
      %swap3A = arith.index_cast %select_n3A : i32 to index
      %swap3A_285 = arith.index_cast %mul3A_284 : i32 to index
      %swap3A_286 = tpu.vector_load %arg11[%swap3A, %swap3A_285] {strides = array<i32>} : memref<104x128xf32, #tpu.memory_space<vmem>>, vector<16xf32>,
      tpu.vector_store %arg11[%swap3A, %swap3A_285], %broadcast_in_dim3A_7 {strides = array<i32>} : memref<104x128xf32, #tpu.memory_space<vmem>>, vector<16xf32>,
    }
    %scan3A_12 = arith.constant 832 : i32
    %scan3A_13 = arith.constant 0 : i32
    %scan3A_14 = arith.constant 0 : i32
    %scan3A_15 = arith.constant 6 : i32
    %scan3A_16 = arith.addi %scan3A_14, %scan3A_15 : i32
    %scan3A_17 = arith.constant 1 : i32
    scf.for %scan3A_251 = %scan3A_14 to %scan3A_16 step %scan3A_17  : i32 {
      %mul3A_252 = arith.constant 104 : i32
      %mul3A_253 = arith.muli %scan3A_251, %mul3A_252 : i32
      %add3A_254 = arith.addi %mul3A_4, %mul3A_253 : i32
      "tpu.region"() ({
        %run_scoped3A = tpu.sem_alloc : memref<!tpu.dma_semaphore, #tpu.memory_space<semaphore_mem>>
        %dma_start3A_255 = arith.constant 0 : i32
        %dma_start3A_256 = tpu.memref_slice %arg14[%add3A_254, %dma_start3A_255] : memref<10000x128xf32, #tpu.memory_space<vmem_shared>> -> memref<104x128xf32, #tpu.memory_space<vmem_shared>>
        %dma_start3A_257 = arith.constant 0 : i32
        %dma_start3A_258 = tpu.memref_slice %arg14[%add3A_254, %dma_start3A_257] : memref<10000x128xf32, #tpu.memory_space<vmem_shared>> -> memref<104x128xf32, #tpu.memory_space<vmem_shared>>
        tpu.enqueue_dma source(%arg11 : memref<104x128xf32, #tpu.memory_space<vmem>>) target(%dma_start3A_258 : memref<104x128xf32, #tpu.memory_space<vmem_shared>>) target_semaphore(%run_scoped3A : memref<!tpu.dma_semaphore, #tpu.memory_space<semaphore_mem>>)
        %dma_wait3A_259 = arith.constant 0 : i32
        %dma_wait3A_260 = tpu.memref_slice %arg14[%add3A_254, %dma_wait3A_259] : memref<10000x128xf32, #tpu.memory_space<vmem_shared>> -> memref<104x128xf32, #tpu.memory_space<vmem_shared>>
        %dma_wait3A_261 = arith.constant 0 : i32
        %dma_wait3A_262 = tpu.memref_slice %arg14[%add3A_254, %dma_wait3A_261] : memref<10000x128xf32, #tpu.memory_space<vmem_shared>> -> memref<104x128xf32, #tpu.memory_space<vmem_shared>>
        tpu.wait_dma2 semaphore(%run_scoped3A : memref<!tpu.dma_semaphore, #tpu.memory_space<semaphore_mem>>) src(%arg11 : memref<104x128xf32, #tpu.memory_space<vmem>>) dst(%dma_wait3A_262 : memref<104x128xf32, #tpu.memory_space<vmem_shared>>)
        tpu.yield
      }) : () -> ()
    }
    %scan3A_18 = arith.constant 6 : i32
    %eq3A = arith.constant 15 : i32
    %eq3A_19 = arith.cmpi eq, %arg1, %eq3A : i32
    %convert_element_type3A = arith.extui %eq3A_19 : i1 to i32
    %cond3A = arith.constant 0 : i32
    %cond3A_20 = arith.cmpi ne, %convert_element_type3A, %cond3A : i32
    scf.if %cond3A_20 {
      "tpu.region"() ({
        %run_scoped3A = tpu.sem_alloc : memref<!tpu.dma_semaphore, #tpu.memory_space<semaphore_mem>>
        %dma_start3A_251 = arith.constant 0 : i32
        %dma_start3A_252 = arith.constant 0 : i32
        %dma_start3A_253 = tpu.memref_slice %arg11[%dma_start3A_251, %dma_start3A_252] : memref<104x128xf32, #tpu.memory_space<vmem>> -> memref<16x128xf32, #tpu.memory_space<vmem>>
        %dma_start3A_254 = arith.constant 9984 : i32
        %dma_start3A_255 = arith.constant 0 : i32
        %dma_start3A_256 = tpu.memref_slice %arg14[%dma_start3A_254, %dma_start3A_255] : memref<10000x128xf32, #tpu.memory_space<vmem_shared>> -> memref<16x128xf32, #tpu.memory_space<vmem_shared>>
        %dma_start3A_257 = arith.constant 9984 : i32
        %dma_start3A_258 = arith.constant 0 : i32
        %dma_start3A_259 = tpu.memref_slice %arg14[%dma_start3A_257, %dma_start3A_258] : memref<10000x128xf32, #tpu.memory_space<vmem_shared>> -> memref<16x128xf32, #tpu.memory_space<vmem_shared>>
        %dma_start3A_260 = arith.constant 0 : i32
        %dma_start3A_261 = arith.constant 0 : i32
        %dma_start3A_262 = tpu.memref_slice %arg11[%dma_start3A_260, %dma_start3A_261] : memref<104x128xf32, #tpu.memory_space<vmem>> -> memref<16x128xf32, #tpu.memory_space<vmem>>
        tpu.enqueue_dma source(%dma_start3A_262 : memref<16x128xf32, #tpu.memory_space<vmem>>) target(%dma_start3A_259 : memref<16x128xf32, #tpu.memory_space<vmem_shared>>) target_semaphore(%run_scoped3A : memref<!tpu.dma_semaphore, #tpu.memory_space<semaphore_mem>>)
        %dma_wait3A_263 = arith.constant 0 : i32
        %dma_wait3A_264 = arith.constant 0 : i32
        %dma_wait3A_265 = tpu.memref_slice %arg11[%dma_wait3A_263, %dma_wait3A_264] : memref<104x128xf32, #tpu.memory_space<vmem>> -> memref<16x128xf32, #tpu.memory_space<vmem>>
        %dma_wait3A_266 = arith.constant 9984 : i32
        %dma_wait3A_267 = arith.constant 0 : i32
        %dma_wait3A_268 = tpu.memref_slice %arg14[%dma_wait3A_266, %dma_wait3A_267] : memref<10000x128xf32, #tpu.memory_space<vmem_shared>> -> memref<16x128xf32, #tpu.memory_space<vmem_shared>>
        %dma_wait3A_269 = arith.constant 9984 : i32
        %dma_wait3A_270 = arith.constant 0 : i32
        %dma_wait3A_271 = tpu.memref_slice %arg14[%dma_wait3A_269, %dma_wait3A_270] : memref<10000x128xf32, #tpu.memory_space<vmem_shared>> -> memref<16x128xf32, #tpu.memory_space<vmem_shared>>
        %dma_wait3A_272 = arith.constant 0 : i32
        %dma_wait3A_273 = arith.constant 0 : i32
        %dma_wait3A_274 = tpu.memref_slice %arg11[%dma_wait3A_272, %dma_wait3A_273] : memref<104x128xf32, #tpu.memory_space<vmem>> -> memref<16x128xf32, #tpu.memory_space<vmem>>
        tpu.wait_dma2 semaphore(%run_scoped3A : memref<!tpu.dma_semaphore, #tpu.memory_space<semaphore_mem>>) src(%dma_wait3A_274 : memref<16x128xf32, #tpu.memory_space<vmem>>) dst(%dma_wait3A_271 : memref<16x128xf32, #tpu.memory_space<vmem_shared>>)
        tpu.yield
      }) : () -> ()
    } else {
    }
    %barrier3A = arith.constant 0 : index
    tpu.barrier barrier_id(%barrier3A)
    "tpu.region"() ({
      %run_scoped3A = tpu.sem_alloc : memref<!tpu.dma_semaphore, #tpu.memory_space<semaphore_mem>>
      %dma_start3A_251 = arith.constant 0 : i32
      %dma_start3A_252 = arith.constant 0 : i32
      %dma_start3A_253 = tpu.memref_slice %arg3[%mul3A_6, %dma_start3A_251, %dma_start3A_252] : memref<1024x6x104xi32, #tpu.memory_space<hbm>> -> memref<1x6x104xi32, #tpu.memory_space<hbm>>
      %dma_start3A_254 = tpu.memref_squeeze %dma_start3A_253 : memref<1x6x104xi32, #tpu.memory_space<hbm>> -> memref<6x104xi32, #tpu.memory_space<hbm>>
      %dma_start3A_255 = arith.constant 0 : i32
      %dma_start3A_256 = arith.constant 0 : i32
      %dma_start3A_257 = tpu.memref_slice %arg3[%mul3A_6, %dma_start3A_255, %dma_start3A_256] : memref<1024x6x104xi32, #tpu.memory_space<hbm>> -> memref<1x6x104xi32, #tpu.memory_space<hbm>>
      %dma_start3A_258 = tpu.memref_squeeze %dma_start3A_257 : memref<1x6x104xi32, #tpu.memory_space<hbm>> -> memref<6x104xi32, #tpu.memory_space<hbm>>
      tpu.enqueue_dma source(%dma_start3A_258 : memref<6x104xi32, #tpu.memory_space<hbm>>) target(%arg7 : memref<6x104xi32, #tpu.memory_space<vmem>>) target_semaphore(%run_scoped3A : memref<!tpu.dma_semaphore, #tpu.memory_space<semaphore_mem>>)
      %dma_wait3A_259 = arith.constant 0 : i32
      %dma_wait3A_260 = arith.constant 0 : i32
      %dma_wait3A_261 = tpu.memref_slice %arg3[%mul3A_6, %dma_wait3A_259, %dma_wait3A_260] : memref<1024x6x104xi32, #tpu.memory_space<hbm>> -> memref<1x6x104xi32, #tpu.memory_space<hbm>>
      %dma_wait3A_262 = tpu.memref_squeeze %dma_wait3A_261 : memref<1x6x104xi32, #tpu.memory_space<hbm>> -> memref<6x104xi32, #tpu.memory_space<hbm>>
      %dma_wait3A_263 = arith.constant 0 : i32
      %dma_wait3A_264 = arith.constant 0 : i32
      %dma_wait3A_265 = tpu.memref_slice %arg3[%mul3A_6, %dma_wait3A_263, %dma_wait3A_264] : memref<1024x6x104xi32, #tpu.memory_space<hbm>> -> memref<1x6x104xi32, #tpu.memory_space<hbm>>
      %dma_wait3A_266 = tpu.memref_squeeze %dma_wait3A_265 : memref<1x6x104xi32, #tpu.memory_space<hbm>> -> memref<6x104xi32, #tpu.memory_space<hbm>>
      tpu.wait_dma2 semaphore(%run_scoped3A : memref<!tpu.dma_semaphore, #tpu.memory_space<semaphore_mem>>) src(%dma_wait3A_266 : memref<6x104xi32, #tpu.memory_space<hbm>>) dst(%arg7 : memref<6x104xi32, #tpu.memory_space<vmem>>)
      tpu.yield
    }) : () -> ()
    %dma_start3A = arith.constant 0 : i32
    %dma_start3A_21 = arith.constant 0 : i32
    %dma_start3A_22 = tpu.memref_slice %arg7[%dma_start3A, %dma_start3A_21] : memref<6x104xi32, #tpu.memory_space<vmem>> -> memref<1x104xi32, #tpu.memory_space<vmem>>
    %dma_start3A_23 = tpu.memref_squeeze %dma_start3A_22 : memref<1x104xi32, #tpu.memory_space<vmem>> -> memref<104xi32, #tpu.memory_space<vmem>>
    %dma_start3A_24 = arith.constant 0 : i32
    %dma_start3A_25 = arith.constant 0 : i32
    %dma_start3A_26 = tpu.memref_slice %arg2[%dma_start3A_24, %dma_start3A_25] : memref<10000x128xf32, #tpu.memory_space<hbm>> -> memref<10000x128xf32, #tpu.memory_space<hbm>>
    tpu.enqueue_indirect_dma source(%dma_start3A_26 : memref<10000x128xf32, #tpu.memory_space<hbm>>) target(%arg11 : memref<104x128xf32, #tpu.memory_space<vmem>>) offsets(%dma_start3A_23 : memref<104xi32, #tpu.memory_space<vmem>>) semaphore(%arg15 : memref<!tpu.dma_semaphore, #tpu.memory_space<semaphore_mem>>)
    %dma_start3A_27 = arith.constant 2 : i32
    %dma_start3A_28 = arith.constant 0 : i32
    %dma_start3A_29 = tpu.memref_slice %arg7[%dma_start3A_27, %dma_start3A_28] : memref<6x104xi32, #tpu.memory_space<vmem>> -> memref<1x104xi32, #tpu.memory_space<vmem>>
    %dma_start3A_30 = tpu.memref_squeeze %dma_start3A_29 : memref<1x104xi32, #tpu.memory_space<vmem>> -> memref<104xi32, #tpu.memory_space<vmem>>
    %dma_start3A_31 = arith.constant 0 : i32
    %dma_start3A_32 = arith.constant 0 : i32
    %dma_start3A_33 = tpu.memref_slice %arg2[%dma_start3A_31, %dma_start3A_32] : memref<10000x128xf32, #tpu.memory_space<hbm>> -> memref<10000x128xf32, #tpu.memory_space<hbm>>
    tpu.enqueue_indirect_dma source(%dma_start3A_33 : memref<10000x128xf32, #tpu.memory_space<hbm>>) target(%arg12 : memref<104x128xf32, #tpu.memory_space<vmem>>) offsets(%dma_start3A_30 : memref<104xi32, #tpu.memory_space<vmem>>) semaphore(%arg16 : memref<!tpu.dma_semaphore, #tpu.memory_space<semaphore_mem>>)
    %dma_start3A_34 = arith.constant 4 : i32
    %dma_start3A_35 = arith.constant 0 : i32
    %dma_start3A_36 = tpu.memref_slice %arg7[%dma_start3A_34, %dma_start3A_35] : memref<6x104xi32, #tpu.memory_space<vmem>> -> memref<1x104xi32, #tpu.memory_space<vmem>>
    %dma_start3A_37 = tpu.memref_squeeze %dma_start3A_36 : memref<1x104xi32, #tpu.memory_space<vmem>> -> memref<104xi32, #tpu.memory_space<vmem>>
    %dma_start3A_38 = arith.constant 0 : i32
    %dma_start3A_39 = arith.constant 0 : i32
    %dma_start3A_40 = tpu.memref_slice %arg2[%dma_start3A_38, %dma_start3A_39] : memref<10000x128xf32, #tpu.memory_space<hbm>> -> memref<10000x128xf32, #tpu.memory_space<hbm>>
    tpu.enqueue_indirect_dma source(%dma_start3A_40 : memref<10000x128xf32, #tpu.memory_space<hbm>>) target(%arg13 : memref<104x128xf32, #tpu.memory_space<vmem>>) offsets(%dma_start3A_37 : memref<104xi32, #tpu.memory_space<vmem>>) semaphore(%arg17 : memref<!tpu.dma_semaphore, #tpu.memory_space<semaphore_mem>>)
    %add3A_41 = arith.constant 1 : i32
    %add3A_42 = arith.addi %mul3A_6, %add3A_41 : i32
    %dma_start3A_43 = arith.constant 0 : i32
    %dma_start3A_44 = arith.constant 0 : i32
    %dma_start3A_45 = tpu.memref_slice %arg3[%add3A_42, %dma_start3A_43, %dma_start3A_44] : memref<1024x6x104xi32, #tpu.memory_space<hbm>> -> memref<1x6x104xi32, #tpu.memory_space<hbm>>
    %dma_start3A_46 = tpu.memref_squeeze %dma_start3A_45 : memref<1x6x104xi32, #tpu.memory_space<hbm>> -> memref<6x104xi32, #tpu.memory_space<hbm>>
    %dma_start3A_47 = arith.constant 0 : i32
    %dma_start3A_48 = arith.constant 0 : i32
    %dma_start3A_49 = tpu.memref_slice %arg3[%add3A_42, %dma_start3A_47, %dma_start3A_48] : memref<1024x6x104xi32, #tpu.memory_space<hbm>> -> memref<1x6x104xi32, #tpu.memory_space<hbm>>
    %dma_start3A_50 = tpu.memref_squeeze %dma_start3A_49 : memref<1x6x104xi32, #tpu.memory_space<hbm>> -> memref<6x104xi32, #tpu.memory_space<hbm>>
    tpu.enqueue_dma source(%dma_start3A_50 : memref<6x104xi32, #tpu.memory_space<hbm>>) target(%arg8 : memref<6x104xi32, #tpu.memory_space<vmem>>) target_semaphore(%arg22 : memref<!tpu.dma_semaphore, #tpu.memory_space<semaphore_mem>>)
    %scan3A_51 = arith.constant 0 : i32
    %scan3A_52 = arith.constant 0 : i32
    %scan3A_53 = arith.constant 15 : i32
    %scan3A_54 = arith.addi %scan3A_52, %scan3A_53 : i32
    %scan3A_55 = arith.constant 1 : i32
    scf.for %scan3A_251 = %scan3A_52 to %scan3A_54 step %scan3A_55  : i32 {
      %mul3A_252 = arith.constant 2 : i32
      %mul3A_253 = arith.muli %mul3A_252, %scan3A_251 : i32
      %dma_wait3A_254 = arith.constant 0 : i32
      %dma_wait3A_255 = arith.constant 0 : i32
      %dma_wait3A_256 = tpu.memref_slice %arg7[%dma_wait3A_254, %dma_wait3A_255] : memref<6x104xi32, #tpu.memory_space<vmem>> -> memref<1x104xi32, #tpu.memory_space<vmem>>
      %dma_wait3A_257 = tpu.memref_squeeze %dma_wait3A_256 : memref<1x104xi32, #tpu.memory_space<vmem>> -> memref<104xi32, #tpu.memory_space<vmem>>
      %dma_wait3A_258 = arith.constant 0 : i32
      %dma_wait3A_259 = arith.constant 0 : i32
      %dma_wait3A_260 = tpu.memref_slice %arg2[%dma_wait3A_258, %dma_wait3A_259] : memref<10000x128xf32, #tpu.memory_space<hbm>> -> memref<10000x128xf32, #tpu.memory_space<hbm>>
      tpu.wait_indirect_dma semaphore(%arg15 : memref<!tpu.dma_semaphore, #tpu.memory_space<semaphore_mem>>) src(%dma_wait3A_260 : memref<10000x128xf32, #tpu.memory_space<hbm>>) dst(%arg11 : memref<104x128xf32, #tpu.memory_space<vmem>>)
      %dma_start3A_261 = arith.constant 1 : i32
      %dma_start3A_262 = arith.constant 0 : i32
      %dma_start3A_263 = tpu.memref_slice %arg7[%dma_start3A_261, %dma_start3A_262] : memref<6x104xi32, #tpu.memory_space<vmem>> -> memref<1x104xi32, #tpu.memory_space<vmem>>
      %dma_start3A_264 = tpu.memref_squeeze %dma_start3A_263 : memref<1x104xi32, #tpu.memory_space<vmem>> -> memref<104xi32, #tpu.memory_space<vmem>>
      %dma_start3A_265 = arith.constant 0 : i32
      %dma_start3A_266 = arith.constant 0 : i32
      %dma_start3A_267 = tpu.memref_slice %arg14[%dma_start3A_265, %dma_start3A_266] : memref<10000x128xf32, #tpu.memory_space<vmem_shared>> -> memref<10000x128xf32, #tpu.memory_space<vmem_shared>>
      tpu.enqueue_indirect_dma source(%arg11 : memref<104x128xf32, #tpu.memory_space<vmem>>) target(%dma_start3A_267 : memref<10000x128xf32, #tpu.memory_space<vmem_shared>>) offsets(%dma_start3A_264 : memref<104xi32, #tpu.memory_space<vmem>>) semaphore(%arg18 : memref<!tpu.dma_semaphore, #tpu.memory_space<semaphore_mem>>) {add = true}
      %dma_wait3A_268 = arith.constant 2 : i32
      %dma_wait3A_269 = arith.constant 0 : i32
      %dma_wait3A_270 = tpu.memref_slice %arg7[%dma_wait3A_268, %dma_wait3A_269] : memref<6x104xi32, #tpu.memory_space<vmem>> -> memref<1x104xi32, #tpu.memory_space<vmem>>
      %dma_wait3A_271 = tpu.memref_squeeze %dma_wait3A_270 : memref<1x104xi32, #tpu.memory_space<vmem>> -> memref<104xi32, #tpu.memory_space<vmem>>
      %dma_wait3A_272 = arith.constant 0 : i32
      %dma_wait3A_273 = arith.constant 0 : i32
      %dma_wait3A_274 = tpu.memref_slice %arg2[%dma_wait3A_272, %dma_wait3A_273] : memref<10000x128xf32, #tpu.memory_space<hbm>> -> memref<10000x128xf32, #tpu.memory_space<hbm>>
      tpu.wait_indirect_dma semaphore(%arg16 : memref<!tpu.dma_semaphore, #tpu.memory_space<semaphore_mem>>) src(%dma_wait3A_274 : memref<10000x128xf32, #tpu.memory_space<hbm>>) dst(%arg12 : memref<104x128xf32, #tpu.memory_space<vmem>>)
      %dma_start3A_275 = arith.constant 3 : i32
      %dma_start3A_276 = arith.constant 0 : i32
      %dma_start3A_277 = tpu.memref_slice %arg7[%dma_start3A_275, %dma_start3A_276] : memref<6x104xi32, #tpu.memory_space<vmem>> -> memref<1x104xi32, #tpu.memory_space<vmem>>
      %dma_start3A_278 = tpu.memref_squeeze %dma_start3A_277 : memref<1x104xi32, #tpu.memory_space<vmem>> -> memref<104xi32, #tpu.memory_space<vmem>>
      %dma_start3A_279 = arith.constant 0 : i32
      %dma_start3A_280 = arith.constant 0 : i32
      %dma_start3A_281 = tpu.memref_slice %arg14[%dma_start3A_279, %dma_start3A_280] : memref<10000x128xf32, #tpu.memory_space<vmem_shared>> -> memref<10000x128xf32, #tpu.memory_space<vmem_shared>>
      tpu.enqueue_indirect_dma source(%arg12 : memref<104x128xf32, #tpu.memory_space<vmem>>) target(%dma_start3A_281 : memref<10000x128xf32, #tpu.memory_space<vmem_shared>>) offsets(%dma_start3A_278 : memref<104xi32, #tpu.memory_space<vmem>>) semaphore(%arg19 : memref<!tpu.dma_semaphore, #tpu.memory_space<semaphore_mem>>) {add = true}
      %dma_wait3A_282 = arith.constant 4 : i32
      %dma_wait3A_283 = arith.constant 0 : i32
      %dma_wait3A_284 = tpu.memref_slice %arg7[%dma_wait3A_282, %dma_wait3A_283] : memref<6x104xi32, #tpu.memory_space<vmem>> -> memref<1x104xi32, #tpu.memory_space<vmem>>
      %dma_wait3A_285 = tpu.memref_squeeze %dma_wait3A_284 : memref<1x104xi32, #tpu.memory_space<vmem>> -> memref<104xi32, #tpu.memory_space<vmem>>
      %dma_wait3A_286 = arith.constant 0 : i32
      %dma_wait3A_287 = arith.constant 0 : i32
      %dma_wait3A_288 = tpu.memref_slice %arg2[%dma_wait3A_286, %dma_wait3A_287] : memref<10000x128xf32, #tpu.memory_space<hbm>> -> memref<10000x128xf32, #tpu.memory_space<hbm>>
      tpu.wait_indirect_dma semaphore(%arg17 : memref<!tpu.dma_semaphore, #tpu.memory_space<semaphore_mem>>) src(%dma_wait3A_288 : memref<10000x128xf32, #tpu.memory_space<hbm>>) dst(%arg13 : memref<104x128xf32, #tpu.memory_space<vmem>>)
      %dma_start3A_289 = arith.constant 5 : i32
      %dma_start3A_290 = arith.constant 0 : i32
      %dma_start3A_291 = tpu.memref_slice %arg7[%dma_start3A_289, %dma_start3A_290] : memref<6x104xi32, #tpu.memory_space<vmem>> -> memref<1x104xi32, #tpu.memory_space<vmem>>
      %dma_start3A_292 = tpu.memref_squeeze %dma_start3A_291 : memref<1x104xi32, #tpu.memory_space<vmem>> -> memref<104xi32, #tpu.memory_space<vmem>>
      %dma_start3A_293 = arith.constant 0 : i32
      %dma_start3A_294 = arith.constant 0 : i32
      %dma_start3A_295 = tpu.memref_slice %arg14[%dma_start3A_293, %dma_start3A_294] : memref<10000x128xf32, #tpu.memory_space<vmem_shared>> -> memref<10000x128xf32, #tpu.memory_space<vmem_shared>>
      tpu.enqueue_indirect_dma source(%arg13 : memref<104x128xf32, #tpu.memory_space<vmem>>) target(%dma_start3A_295 : memref<10000x128xf32, #tpu.memory_space<vmem_shared>>) offsets(%dma_start3A_292 : memref<104xi32, #tpu.memory_space<vmem>>) semaphore(%arg20 : memref<!tpu.dma_semaphore, #tpu.memory_space<semaphore_mem>>) {add = true}
      %dma_wait3A_296 = arith.constant 0 : i32
      %dma_wait3A_297 = arith.constant 0 : i32
      %dma_wait3A_298 = tpu.memref_slice %arg3[%mul3A_6, %dma_wait3A_296, %dma_wait3A_297] : memref<1024x6x104xi32, #tpu.memory_space<hbm>> -> memref<1x6x104xi32, #tpu.memory_space<hbm>>
      %dma_wait3A_299 = tpu.memref_squeeze %dma_wait3A_298 : memref<1x6x104xi32, #tpu.memory_space<hbm>> -> memref<6x104xi32, #tpu.memory_space<hbm>>
      %dma_wait3A_300 = arith.constant 0 : i32
      %dma_wait3A_301 = arith.constant 0 : i32
      %dma_wait3A_302 = tpu.memref_slice %arg3[%mul3A_6, %dma_wait3A_300, %dma_wait3A_301] : memref<1024x6x104xi32, #tpu.memory_space<hbm>> -> memref<1x6x104xi32, #tpu.memory_space<hbm>>
      %dma_wait3A_303 = tpu.memref_squeeze %dma_wait3A_302 : memref<1x6x104xi32, #tpu.memory_space<hbm>> -> memref<6x104xi32, #tpu.memory_space<hbm>>
      tpu.wait_dma2 semaphore(%arg22 : memref<!tpu.dma_semaphore, #tpu.memory_space<semaphore_mem>>) src(%dma_wait3A_303 : memref<6x104xi32, #tpu.memory_space<hbm>>) dst(%arg8 : memref<6x104xi32, #tpu.memory_space<vmem>>)
      %dma_wait3A_304 = arith.constant 1 : i32
      %dma_wait3A_305 = arith.constant 0 : i32
      %dma_wait3A_306 = tpu.memref_slice %arg7[%dma_wait3A_304, %dma_wait3A_305] : memref<6x104xi32, #tpu.memory_space<vmem>> -> memref<1x104xi32, #tpu.memory_space<vmem>>
      %dma_wait3A_307 = tpu.memref_squeeze %dma_wait3A_306 : memref<1x104xi32, #tpu.memory_space<vmem>> -> memref<104xi32, #tpu.memory_space<vmem>>
      %dma_wait3A_308 = arith.constant 0 : i32
      %dma_wait3A_309 = arith.constant 0 : i32
      %dma_wait3A_310 = tpu.memref_slice %arg14[%dma_wait3A_308, %dma_wait3A_309] : memref<10000x128xf32, #tpu.memory_space<vmem_shared>> -> memref<10000x128xf32, #tpu.memory_space<vmem_shared>>
      tpu.wait_indirect_dma semaphore(%arg18 : memref<!tpu.dma_semaphore, #tpu.memory_space<semaphore_mem>>) src(%arg11 : memref<104x128xf32, #tpu.memory_space<vmem>>) dst(%dma_wait3A_310 : memref<10000x128xf32, #tpu.memory_space<vmem_shared>>)
      %dma_start3A_311 = arith.constant 0 : i32
      %dma_start3A_312 = arith.constant 0 : i32
      %dma_start3A_313 = tpu.memref_slice %arg8[%dma_start3A_311, %dma_start3A_312] : memref<6x104xi32, #tpu.memory_space<vmem>> -> memref<1x104xi32, #tpu.memory_space<vmem>>
      %dma_start3A_314 = tpu.memref_squeeze %dma_start3A_313 : memref<1x104xi32, #tpu.memory_space<vmem>> -> memref<104xi32, #tpu.memory_space<vmem>>
      %dma_start3A_315 = arith.constant 0 : i32
      %dma_start3A_316 = arith.constant 0 : i32
      %dma_start3A_317 = tpu.memref_slice %arg2[%dma_start3A_315, %dma_start3A_316] : memref<10000x128xf32, #tpu.memory_space<hbm>> -> memref<10000x128xf32, #tpu.memory_space<hbm>>
      tpu.enqueue_indirect_dma source(%dma_start3A_317 : memref<10000x128xf32, #tpu.memory_space<hbm>>) target(%arg11 : memref<104x128xf32, #tpu.memory_space<vmem>>) offsets(%dma_start3A_314 : memref<104xi32, #tpu.memory_space<vmem>>) semaphore(%arg15 : memref<!tpu.dma_semaphore, #tpu.memory_space<semaphore_mem>>)
      %dma_wait3A_318 = arith.constant 1 : i32
      %dma_wait3A_319 = arith.constant 0 : i32
      %dma_wait3A_320 = tpu.memref_slice %arg7[%dma_wait3A_318, %dma_wait3A_319] : memref<6x104xi32, #tpu.memory_space<vmem>> -> memref<1x104xi32, #tpu.memory_space<vmem>>
      %dma_wait3A_321 = tpu.memref_squeeze %dma_wait3A_320 : memref<1x104xi32, #tpu.memory_space<vmem>> -> memref<104xi32, #tpu.memory_space<vmem>>
      %dma_wait3A_322 = arith.constant 0 : i32
      %dma_wait3A_323 = arith.constant 0 : i32
      %dma_wait3A_324 = tpu.memref_slice %arg14[%dma_wait3A_322, %dma_wait3A_323] : memref<10000x128xf32, #tpu.memory_space<vmem_shared>> -> memref<10000x128xf32, #tpu.memory_space<vmem_shared>>
      tpu.wait_indirect_dma semaphore(%arg19 : memref<!tpu.dma_semaphore, #tpu.memory_space<semaphore_mem>>) src(%arg12 : memref<104x128xf32, #tpu.memory_space<vmem>>) dst(%dma_wait3A_324 : memref<10000x128xf32, #tpu.memory_space<vmem_shared>>)
      %dma_start3A_325 = arith.constant 2 : i32
      %dma_start3A_326 = arith.constant 0 : i32
      %dma_start3A_327 = tpu.memref_slice %arg8[%dma_start3A_325, %dma_start3A_326] : memref<6x104xi32, #tpu.memory_space<vmem>> -> memref<1x104xi32, #tpu.memory_space<vmem>>
      %dma_start3A_328 = tpu.memref_squeeze %dma_start3A_327 : memref<1x104xi32, #tpu.memory_space<vmem>> -> memref<104xi32, #tpu.memory_space<vmem>>
      %dma_start3A_329 = arith.constant 0 : i32
      %dma_start3A_330 = arith.constant 0 : i32
      %dma_start3A_331 = tpu.memref_slice %arg2[%dma_start3A_329, %dma_start3A_330] : memref<10000x128xf32, #tpu.memory_space<hbm>> -> memref<10000x128xf32, #tpu.memory_space<hbm>>
      tpu.enqueue_indirect_dma source(%dma_start3A_331 : memref<10000x128xf32, #tpu.memory_space<hbm>>) target(%arg12 : memref<104x128xf32, #tpu.memory_space<vmem>>) offsets(%dma_start3A_328 : memref<104xi32, #tpu.memory_space<vmem>>) semaphore(%arg16 : memref<!tpu.dma_semaphore, #tpu.memory_space<semaphore_mem>>)
      %dma_wait3A_332 = arith.constant 1 : i32
      %dma_wait3A_333 = arith.constant 0 : i32
      %dma_wait3A_334 = tpu.memref_slice %arg7[%dma_wait3A_332, %dma_wait3A_333] : memref<6x104xi32, #tpu.memory_space<vmem>> -> memref<1x104xi32, #tpu.memory_space<vmem>>
      %dma_wait3A_335 = tpu.memref_squeeze %dma_wait3A_334 : memref<1x104xi32, #tpu.memory_space<vmem>> -> memref<104xi32, #tpu.memory_space<vmem>>
      %dma_wait3A_336 = arith.constant 0 : i32
      %dma_wait3A_337 = arith.constant 0 : i32
      %dma_wait3A_338 = tpu.memref_slice %arg14[%dma_wait3A_336, %dma_wait3A_337] : memref<10000x128xf32, #tpu.memory_space<vmem_shared>> -> memref<10000x128xf32, #tpu.memory_space<vmem_shared>>
      tpu.wait_indirect_dma semaphore(%arg20 : memref<!tpu.dma_semaphore, #tpu.memory_space<semaphore_mem>>) src(%arg13 : memref<104x128xf32, #tpu.memory_space<vmem>>) dst(%dma_wait3A_338 : memref<10000x128xf32, #tpu.memory_space<vmem_shared>>)
      %dma_start3A_339 = arith.constant 4 : i32
      %dma_start3A_340 = arith.constant 0 : i32
      %dma_start3A_341 = tpu.memref_slice %arg8[%dma_start3A_339, %dma_start3A_340] : memref<6x104xi32, #tpu.memory_space<vmem>> -> memref<1x104xi32, #tpu.memory_space<vmem>>
      %dma_start3A_342 = tpu.memref_squeeze %dma_start3A_341 : memref<1x104xi32, #tpu.memory_space<vmem>> -> memref<104xi32, #tpu.memory_space<vmem>>
      %dma_start3A_343 = arith.constant 0 : i32
      %dma_start3A_344 = arith.constant 0 : i32
      %dma_start3A_345 = tpu.memref_slice %arg2[%dma_start3A_343, %dma_start3A_344] : memref<10000x128xf32, #tpu.memory_space<hbm>> -> memref<10000x128xf32, #tpu.memory_space<hbm>>
      tpu.enqueue_indirect_dma source(%dma_start3A_345 : memref<10000x128xf32, #tpu.memory_space<hbm>>) target(%arg13 : memref<104x128xf32, #tpu.memory_space<vmem>>) offsets(%dma_start3A_342 : memref<104xi32, #tpu.memory_space<vmem>>) semaphore(%arg17 : memref<!tpu.dma_semaphore, #tpu.memory_space<semaphore_mem>>)
      %add3A_346 = arith.constant 2 : i32
      %add3A_347 = arith.addi %mul3A_253, %add3A_346 : i32
      %min3A_348 = arith.constant 31 : i32
      %min3A_349 = arith.minsi %add3A_347, %min3A_348 : i32
      %add3A_350 = arith.addi %mul3A_6, %min3A_349 : i32
      %dma_start3A_351 = arith.constant 0 : i32
      %dma_start3A_352 = arith.constant 0 : i32
      %dma_start3A_353 = tpu.memref_slice %arg3[%add3A_350, %dma_start3A_351, %dma_start3A_352] : memref<1024x6x104xi32, #tpu.memory_space<hbm>> -> memref<1x6x104xi32, #tpu.memory_space<hbm>>
      %dma_start3A_354 = tpu.memref_squeeze %dma_start3A_353 : memref<1x6x104xi32, #tpu.memory_space<hbm>> -> memref<6x104xi32, #tpu.memory_space<hbm>>
      %dma_start3A_355 = arith.constant 0 : i32
      %dma_start3A_356 = arith.constant 0 : i32
      %dma_start3A_357 = tpu.memref_slice %arg3[%add3A_350, %dma_start3A_355, %dma_start3A_356] : memref<1024x6x104xi32, #tpu.memory_space<hbm>> -> memref<1x6x104xi32, #tpu.memory_space<hbm>>
      %dma_start3A_358 = tpu.memref_squeeze %dma_start3A_357 : memref<1x6x104xi32, #tpu.memory_space<hbm>> -> memref<6x104xi32, #tpu.memory_space<hbm>>
      tpu.enqueue_dma source(%dma_start3A_358 : memref<6x104xi32, #tpu.memory_space<hbm>>) target(%arg7 : memref<6x104xi32, #tpu.memory_space<vmem>>) target_semaphore(%arg21 : memref<!tpu.dma_semaphore, #tpu.memory_space<semaphore_mem>>)
      %mul3A_359 = arith.constant 2 : i32
      %mul3A_360 = arith.muli %mul3A_359, %scan3A_251 : i32
      %add3A_361 = arith.constant 1 : i32
      %add3A_362 = arith.addi %mul3A_360, %add3A_361 : i32
      %dma_wait3A_363 = arith.constant 0 : i32
      %dma_wait3A_364 = arith.constant 0 : i32
      %dma_wait3A_365 = tpu.memref_slice %arg7[%dma_wait3A_363, %dma_wait3A_364] : memref<6x104xi32, #tpu.memory_space<vmem>> -> memref<1x104xi32, #tpu.memory_space<vmem>>
      %dma_wait3A_366 = tpu.memref_squeeze %dma_wait3A_365 : memref<1x104xi32, #tpu.memory_space<vmem>> -> memref<104xi32, #tpu.memory_space<vmem>>
      %dma_wait3A_367 = arith.constant 0 : i32
      %dma_wait3A_368 = arith.constant 0 : i32
      %dma_wait3A_369 = tpu.memref_slice %arg2[%dma_wait3A_367, %dma_wait3A_368] : memref<10000x128xf32, #tpu.memory_space<hbm>> -> memref<10000x128xf32, #tpu.memory_space<hbm>>
      tpu.wait_indirect_dma semaphore(%arg15 : memref<!tpu.dma_semaphore, #tpu.memory_space<semaphore_mem>>) src(%dma_wait3A_369 : memref<10000x128xf32, #tpu.memory_space<hbm>>) dst(%arg11 : memref<104x128xf32, #tpu.memory_space<vmem>>)
      %dma_start3A_370 = arith.constant 1 : i32
      %dma_start3A_371 = arith.constant 0 : i32
      %dma_start3A_372 = tpu.memref_slice %arg8[%dma_start3A_370, %dma_start3A_371] : memref<6x104xi32, #tpu.memory_space<vmem>> -> memref<1x104xi32, #tpu.memory_space<vmem>>
      %dma_start3A_373 = tpu.memref_squeeze %dma_start3A_372 : memref<1x104xi32, #tpu.memory_space<vmem>> -> memref<104xi32, #tpu.memory_space<vmem>>
      %dma_start3A_374 = arith.constant 0 : i32
      %dma_start3A_375 = arith.constant 0 : i32
      %dma_start3A_376 = tpu.memref_slice %arg14[%dma_start3A_374, %dma_start3A_375] : memref<10000x128xf32, #tpu.memory_space<vmem_shared>> -> memref<10000x128xf32, #tpu.memory_space<vmem_shared>>
      tpu.enqueue_indirect_dma source(%arg11 : memref<104x128xf32, #tpu.memory_space<vmem>>) target(%dma_start3A_376 : memref<10000x128xf32, #tpu.memory_space<vmem_shared>>) offsets(%dma_start3A_373 : memref<104xi32, #tpu.memory_space<vmem>>) semaphore(%arg18 : memref<!tpu.dma_semaphore, #tpu.memory_space<semaphore_mem>>) {add = true}
      %dma_wait3A_377 = arith.constant 2 : i32
      %dma_wait3A_378 = arith.constant 0 : i32
      %dma_wait3A_379 = tpu.memref_slice %arg7[%dma_wait3A_377, %dma_wait3A_378] : memref<6x104xi32, #tpu.memory_space<vmem>> -> memref<1x104xi32, #tpu.memory_space<vmem>>
      %dma_wait3A_380 = tpu.memref_squeeze %dma_wait3A_379 : memref<1x104xi32, #tpu.memory_space<vmem>> -> memref<104xi32, #tpu.memory_space<vmem>>
      %dma_wait3A_381 = arith.constant 0 : i32
      %dma_wait3A_382 = arith.constant 0 : i32
      %dma_wait3A_383 = tpu.memref_slice %arg2[%dma_wait3A_381, %dma_wait3A_382] : memref<10000x128xf32, #tpu.memory_space<hbm>> -> memref<10000x128xf32, #tpu.memory_space<hbm>>
      tpu.wait_indirect_dma semaphore(%arg16 : memref<!tpu.dma_semaphore, #tpu.memory_space<semaphore_mem>>) src(%dma_wait3A_383 : memref<10000x128xf32, #tpu.memory_space<hbm>>) dst(%arg12 : memref<104x128xf32, #tpu.memory_space<vmem>>)
      %dma_start3A_384 = arith.constant 3 : i32
      %dma_start3A_385 = arith.constant 0 : i32
      %dma_start3A_386 = tpu.memref_slice %arg8[%dma_start3A_384, %dma_start3A_385] : memref<6x104xi32, #tpu.memory_space<vmem>> -> memref<1x104xi32, #tpu.memory_space<vmem>>
      %dma_start3A_387 = tpu.memref_squeeze %dma_start3A_386 : memref<1x104xi32, #tpu.memory_space<vmem>> -> memref<104xi32, #tpu.memory_space<vmem>>
      %dma_start3A_388 = arith.constant 0 : i32
      %dma_start3A_389 = arith.constant 0 : i32
      %dma_start3A_390 = tpu.memref_slice %arg14[%dma_start3A_388, %dma_start3A_389] : memref<10000x128xf32, #tpu.memory_space<vmem_shared>> -> memref<10000x128xf32, #tpu.memory_space<vmem_shared>>
      tpu.enqueue_indirect_dma source(%arg12 : memref<104x128xf32, #tpu.memory_space<vmem>>) target(%dma_start3A_390 : memref<10000x128xf32, #tpu.memory_space<vmem_shared>>) offsets(%dma_start3A_387 : memref<104xi32, #tpu.memory_space<vmem>>) semaphore(%arg19 : memref<!tpu.dma_semaphore, #tpu.memory_space<semaphore_mem>>) {add = true}
      %dma_wait3A_391 = arith.constant 4 : i32
      %dma_wait3A_392 = arith.constant 0 : i32
      %dma_wait3A_393 = tpu.memref_slice %arg7[%dma_wait3A_391, %dma_wait3A_392] : memref<6x104xi32, #tpu.memory_space<vmem>> -> memref<1x104xi32, #tpu.memory_space<vmem>>
      %dma_wait3A_394 = tpu.memref_squeeze %dma_wait3A_393 : memref<1x104xi32, #tpu.memory_space<vmem>> -> memref<104xi32, #tpu.memory_space<vmem>>
      %dma_wait3A_395 = arith.constant 0 : i32
      %dma_wait3A_396 = arith.constant 0 : i32
      %dma_wait3A_397 = tpu.memref_slice %arg2[%dma_wait3A_395, %dma_wait3A_396] : memref<10000x128xf32, #tpu.memory_space<hbm>> -> memref<10000x128xf32, #tpu.memory_space<hbm>>
      tpu.wait_indirect_dma semaphore(%arg17 : memref<!tpu.dma_semaphore, #tpu.memory_space<semaphore_mem>>) src(%dma_wait3A_397 : memref<10000x128xf32, #tpu.memory_space<hbm>>) dst(%arg13 : memref<104x128xf32, #tpu.memory_space<vmem>>)
      %dma_start3A_398 = arith.constant 5 : i32
      %dma_start3A_399 = arith.constant 0 : i32
      %dma_start3A_400 = tpu.memref_slice %arg8[%dma_start3A_398, %dma_start3A_399] : memref<6x104xi32, #tpu.memory_space<vmem>> -> memref<1x104xi32, #tpu.memory_space<vmem>>
      %dma_start3A_401 = tpu.memref_squeeze %dma_start3A_400 : memref<1x104xi32, #tpu.memory_space<vmem>> -> memref<104xi32, #tpu.memory_space<vmem>>
      %dma_start3A_402 = arith.constant 0 : i32
      %dma_start3A_403 = arith.constant 0 : i32
      %dma_start3A_404 = tpu.memref_slice %arg14[%dma_start3A_402, %dma_start3A_403] : memref<10000x128xf32, #tpu.memory_space<vmem_shared>> -> memref<10000x128xf32, #tpu.memory_space<vmem_shared>>
      tpu.enqueue_indirect_dma source(%arg13 : memref<104x128xf32, #tpu.memory_space<vmem>>) target(%dma_start3A_404 : memref<10000x128xf32, #tpu.memory_space<vmem_shared>>) offsets(%dma_start3A_401 : memref<104xi32, #tpu.memory_space<vmem>>) semaphore(%arg20 : memref<!tpu.dma_semaphore, #tpu.memory_space<semaphore_mem>>) {add = true}
      %dma_wait3A_405 = arith.constant 0 : i32
      %dma_wait3A_406 = arith.constant 0 : i32
      %dma_wait3A_407 = tpu.memref_slice %arg3[%mul3A_6, %dma_wait3A_405, %dma_wait3A_406] : memref<1024x6x104xi32, #tpu.memory_space<hbm>> -> memref<1x6x104xi32, #tpu.memory_space<hbm>>
      %dma_wait3A_408 = tpu.memref_squeeze %dma_wait3A_407 : memref<1x6x104xi32, #tpu.memory_space<hbm>> -> memref<6x104xi32, #tpu.memory_space<hbm>>
      %dma_wait3A_409 = arith.constant 0 : i32
      %dma_wait3A_410 = arith.constant 0 : i32
      %dma_wait3A_411 = tpu.memref_slice %arg3[%mul3A_6, %dma_wait3A_409, %dma_wait3A_410] : memref<1024x6x104xi32, #tpu.memory_space<hbm>> -> memref<1x6x104xi32, #tpu.memory_space<hbm>>
      %dma_wait3A_412 = tpu.memref_squeeze %dma_wait3A_411 : memref<1x6x104xi32, #tpu.memory_space<hbm>> -> memref<6x104xi32, #tpu.memory_space<hbm>>
      tpu.wait_dma2 semaphore(%arg21 : memref<!tpu.dma_semaphore, #tpu.memory_space<semaphore_mem>>) src(%dma_wait3A_412 : memref<6x104xi32, #tpu.memory_space<hbm>>) dst(%arg7 : memref<6x104xi32, #tpu.memory_space<vmem>>)
      %dma_wait3A_413 = arith.constant 1 : i32
      %dma_wait3A_414 = arith.constant 0 : i32
      %dma_wait3A_415 = tpu.memref_slice %arg7[%dma_wait3A_413, %dma_wait3A_414] : memref<6x104xi32, #tpu.memory_space<vmem>> -> memref<1x104xi32, #tpu.memory_space<vmem>>
      %dma_wait3A_416 = tpu.memref_squeeze %dma_wait3A_415 : memref<1x104xi32, #tpu.memory_space<vmem>> -> memref<104xi32, #tpu.memory_space<vmem>>
      %dma_wait3A_417 = arith.constant 0 : i32
      %dma_wait3A_418 = arith.constant 0 : i32
      %dma_wait3A_419 = tpu.memref_slice %arg14[%dma_wait3A_417, %dma_wait3A_418] : memref<10000x128xf32, #tpu.memory_space<vmem_shared>> -> memref<10000x128xf32, #tpu.memory_space<vmem_shared>>
      tpu.wait_indirect_dma semaphore(%arg18 : memref<!tpu.dma_semaphore, #tpu.memory_space<semaphore_mem>>) src(%arg11 : memref<104x128xf32, #tpu.memory_space<vmem>>) dst(%dma_wait3A_419 : memref<10000x128xf32, #tpu.memory_space<vmem_shared>>)
      %dma_start3A_420 = arith.constant 0 : i32
      %dma_start3A_421 = arith.constant 0 : i32
      %dma_start3A_422 = tpu.memref_slice %arg7[%dma_start3A_420, %dma_start3A_421] : memref<6x104xi32, #tpu.memory_space<vmem>> -> memref<1x104xi32, #tpu.memory_space<vmem>>
      %dma_start3A_423 = tpu.memref_squeeze %dma_start3A_422 : memref<1x104xi32, #tpu.memory_space<vmem>> -> memref<104xi32, #tpu.memory_space<vmem>>
      %dma_start3A_424 = arith.constant 0 : i32
      %dma_start3A_425 = arith.constant 0 : i32
      %dma_start3A_426 = tpu.memref_slice %arg2[%dma_start3A_424, %dma_start3A_425] : memref<10000x128xf32, #tpu.memory_space<hbm>> -> memref<10000x128xf32, #tpu.memory_space<hbm>>
      tpu.enqueue_indirect_dma source(%dma_start3A_426 : memref<10000x128xf32, #tpu.memory_space<hbm>>) target(%arg11 : memref<104x128xf32, #tpu.memory_space<vmem>>) offsets(%dma_start3A_423 : memref<104xi32, #tpu.memory_space<vmem>>) semaphore(%arg15 : memref<!tpu.dma_semaphore, #tpu.memory_space<semaphore_mem>>)
      %dma_wait3A_427 = arith.constant 1 : i32
      %dma_wait3A_428 = arith.constant 0 : i32
      %dma_wait3A_429 = tpu.memref_slice %arg7[%dma_wait3A_427, %dma_wait3A_428] : memref<6x104xi32, #tpu.memory_space<vmem>> -> memref<1x104xi32, #tpu.memory_space<vmem>>
      %dma_wait3A_430 = tpu.memref_squeeze %dma_wait3A_429 : memref<1x104xi32, #tpu.memory_space<vmem>> -> memref<104xi32, #tpu.memory_space<vmem>>
      %dma_wait3A_431 = arith.constant 0 : i32
      %dma_wait3A_432 = arith.constant 0 : i32
      %dma_wait3A_433 = tpu.memref_slice %arg14[%dma_wait3A_431, %dma_wait3A_432] : memref<10000x128xf32, #tpu.memory_space<vmem_shared>> -> memref<10000x128xf32, #tpu.memory_space<vmem_shared>>
      tpu.wait_indirect_dma semaphore(%arg19 : memref<!tpu.dma_semaphore, #tpu.memory_space<semaphore_mem>>) src(%arg12 : memref<104x128xf32, #tpu.memory_space<vmem>>) dst(%dma_wait3A_433 : memref<10000x128xf32, #tpu.memory_space<vmem_shared>>)
      %dma_start3A_434 = arith.constant 2 : i32
      %dma_start3A_435 = arith.constant 0 : i32
      %dma_start3A_436 = tpu.memref_slice %arg7[%dma_start3A_434, %dma_start3A_435] : memref<6x104xi32, #tpu.memory_space<vmem>> -> memref<1x104xi32, #tpu.memory_space<vmem>>
      %dma_start3A_437 = tpu.memref_squeeze %dma_start3A_436 : memref<1x104xi32, #tpu.memory_space<vmem>> -> memref<104xi32, #tpu.memory_space<vmem>>
      %dma_start3A_438 = arith.constant 0 : i32
      %dma_start3A_439 = arith.constant 0 : i32
      %dma_start3A_440 = tpu.memref_slice %arg2[%dma_start3A_438, %dma_start3A_439] : memref<10000x128xf32, #tpu.memory_space<hbm>> -> memref<10000x128xf32, #tpu.memory_space<hbm>>
      tpu.enqueue_indirect_dma source(%dma_start3A_440 : memref<10000x128xf32, #tpu.memory_space<hbm>>) target(%arg12 : memref<104x128xf32, #tpu.memory_space<vmem>>) offsets(%dma_start3A_437 : memref<104xi32, #tpu.memory_space<vmem>>) semaphore(%arg16 : memref<!tpu.dma_semaphore, #tpu.memory_space<semaphore_mem>>)
      %dma_wait3A_441 = arith.constant 1 : i32
      %dma_wait3A_442 = arith.constant 0 : i32
      %dma_wait3A_443 = tpu.memref_slice %arg7[%dma_wait3A_441, %dma_wait3A_442] : memref<6x104xi32, #tpu.memory_space<vmem>> -> memref<1x104xi32, #tpu.memory_space<vmem>>
      %dma_wait3A_444 = tpu.memref_squeeze %dma_wait3A_443 : memref<1x104xi32, #tpu.memory_space<vmem>> -> memref<104xi32, #tpu.memory_space<vmem>>
      %dma_wait3A_445 = arith.constant 0 : i32
      %dma_wait3A_446 = arith.constant 0 : i32
      %dma_wait3A_447 = tpu.memref_slice %arg14[%dma_wait3A_445, %dma_wait3A_446] : memref<10000x128xf32, #tpu.memory_space<vmem_shared>> -> memref<10000x128xf32, #tpu.memory_space<vmem_shared>>
      tpu.wait_indirect_dma semaphore(%arg20 : memref<!tpu.dma_semaphore, #tpu.memory_space<semaphore_mem>>) src(%arg13 : memref<104x128xf32, #tpu.memory_space<vmem>>) dst(%dma_wait3A_447 : memref<10000x128xf32, #tpu.memory_space<vmem_shared>>)
      %dma_start3A_448 = arith.constant 4 : i32
      %dma_start3A_449 = arith.constant 0 : i32
      %dma_start3A_450 = tpu.memref_slice %arg7[%dma_start3A_448, %dma_start3A_449] : memref<6x104xi32, #tpu.memory_space<vmem>> -> memref<1x104xi32, #tpu.memory_space<vmem>>
      %dma_start3A_451 = tpu.memref_squeeze %dma_start3A_450 : memref<1x104xi32, #tpu.memory_space<vmem>> -> memref<104xi32, #tpu.memory_space<vmem>>
      %dma_start3A_452 = arith.constant 0 : i32
      %dma_start3A_453 = arith.constant 0 : i32
      %dma_start3A_454 = tpu.memref_slice %arg2[%dma_start3A_452, %dma_start3A_453] : memref<10000x128xf32, #tpu.memory_space<hbm>> -> memref<10000x128xf32, #tpu.memory_space<hbm>>
      tpu.enqueue_indirect_dma source(%dma_start3A_454 : memref<10000x128xf32, #tpu.memory_space<hbm>>) target(%arg13 : memref<104x128xf32, #tpu.memory_space<vmem>>) offsets(%dma_start3A_451 : memref<104xi32, #tpu.memory_space<vmem>>) semaphore(%arg17 : memref<!tpu.dma_semaphore, #tpu.memory_space<semaphore_mem>>)
      %add3A_455 = arith.constant 2 : i32
      %add3A_456 = arith.addi %add3A_362, %add3A_455 : i32
      %min3A_457 = arith.constant 31 : i32
      %min3A_458 = arith.minsi %add3A_456, %min3A_457 : i32
      %add3A_459 = arith.addi %mul3A_6, %min3A_458 : i32
      %dma_start3A_460 = arith.constant 0 : i32
      %dma_start3A_461 = arith.constant 0 : i32
      %dma_start3A_462 = tpu.memref_slice %arg3[%add3A_459, %dma_start3A_460, %dma_start3A_461] : memref<1024x6x104xi32, #tpu.memory_space<hbm>> -> memref<1x6x104xi32, #tpu.memory_space<hbm>>
      %dma_start3A_463 = tpu.memref_squeeze %dma_start3A_462 : memref<1x6x104xi32, #tpu.memory_space<hbm>> -> memref<6x104xi32, #tpu.memory_space<hbm>>
      %dma_start3A_464 = arith.constant 0 : i32
      %dma_start3A_465 = arith.constant 0 : i32
      %dma_start3A_466 = tpu.memref_slice %arg3[%add3A_459, %dma_start3A_464, %dma_start3A_465] : memref<1024x6x104xi32, #tpu.memory_space<hbm>> -> memref<1x6x104xi32, #tpu.memory_space<hbm>>
      %dma_start3A_467 = tpu.memref_squeeze %dma_start3A_466 : memref<1x6x104xi32, #tpu.memory_space<hbm>> -> memref<6x104xi32, #tpu.memory_space<hbm>>
      tpu.enqueue_dma source(%dma_start3A_467 : memref<6x104xi32, #tpu.memory_space<hbm>>) target(%arg8 : memref<6x104xi32, #tpu.memory_space<vmem>>) target_semaphore(%arg22 : memref<!tpu.dma_semaphore, #tpu.memory_space<semaphore_mem>>)
    }
    %scan3A_56 = arith.constant 15 : i32
    %dma_wait3A = arith.constant 0 : i32
    %dma_wait3A_57 = arith.constant 0 : i32
    %dma_wait3A_58 = tpu.memref_slice %arg7[%dma_wait3A, %dma_wait3A_57] : memref<6x104xi32, #tpu.memory_space<vmem>> -> memref<1x104xi32, #tpu.memory_space<vmem>>
    %dma_wait3A_59 = tpu.memref_squeeze %dma_wait3A_58 : memref<1x104xi32, #tpu.memory_space<vmem>> -> memref<104xi32, #tpu.memory_space<vmem>>
    %dma_wait3A_60 = arith.constant 0 : i32
    %dma_wait3A_61 = arith.constant 0 : i32
    %dma_wait3A_62 = tpu.memref_slice %arg2[%dma_wait3A_60, %dma_wait3A_61] : memref<10000x128xf32, #tpu.memory_space<hbm>> -> memref<10000x128xf32, #tpu.memory_space<hbm>>
    tpu.wait_indirect_dma semaphore(%arg15 : memref<!tpu.dma_semaphore, #tpu.memory_space<semaphore_mem>>) src(%dma_wait3A_62 : memref<10000x128xf32, #tpu.memory_space<hbm>>) dst(%arg11 : memref<104x128xf32, #tpu.memory_space<vmem>>)
    %dma_start3A_63 = arith.constant 1 : i32
    %dma_start3A_64 = arith.constant 0 : i32
    %dma_start3A_65 = tpu.memref_slice %arg7[%dma_start3A_63, %dma_start3A_64] : memref<6x104xi32, #tpu.memory_space<vmem>> -> memref<1x104xi32, #tpu.memory_space<vmem>>
    %dma_start3A_66 = tpu.memref_squeeze %dma_start3A_65 : memref<1x104xi32, #tpu.memory_space<vmem>> -> memref<104xi32, #tpu.memory_space<vmem>>
    %dma_start3A_67 = arith.constant 0 : i32
    %dma_start3A_68 = arith.constant 0 : i32
    %dma_start3A_69 = tpu.memref_slice %arg14[%dma_start3A_67, %dma_start3A_68] : memref<10000x128xf32, #tpu.memory_space<vmem_shared>> -> memref<10000x128xf32, #tpu.memory_space<vmem_shared>>
    tpu.enqueue_indirect_dma source(%arg11 : memref<104x128xf32, #tpu.memory_space<vmem>>) target(%dma_start3A_69 : memref<10000x128xf32, #tpu.memory_space<vmem_shared>>) offsets(%dma_start3A_66 : memref<104xi32, #tpu.memory_space<vmem>>) semaphore(%arg18 : memref<!tpu.dma_semaphore, #tpu.memory_space<semaphore_mem>>) {add = true}
    %dma_wait3A_70 = arith.constant 2 : i32
    %dma_wait3A_71 = arith.constant 0 : i32
    %dma_wait3A_72 = tpu.memref_slice %arg7[%dma_wait3A_70, %dma_wait3A_71] : memref<6x104xi32, #tpu.memory_space<vmem>> -> memref<1x104xi32, #tpu.memory_space<vmem>>
    %dma_wait3A_73 = tpu.memref_squeeze %dma_wait3A_72 : memref<1x104xi32, #tpu.memory_space<vmem>> -> memref<104xi32, #tpu.memory_space<vmem>>
    %dma_wait3A_74 = arith.constant 0 : i32
    %dma_wait3A_75 = arith.constant 0 : i32
    %dma_wait3A_76 = tpu.memref_slice %arg2[%dma_wait3A_74, %dma_wait3A_75] : memref<10000x128xf32, #tpu.memory_space<hbm>> -> memref<10000x128xf32, #tpu.memory_space<hbm>>
    tpu.wait_indirect_dma semaphore(%arg16 : memref<!tpu.dma_semaphore, #tpu.memory_space<semaphore_mem>>) src(%dma_wait3A_76 : memref<10000x128xf32, #tpu.memory_space<hbm>>) dst(%arg12 : memref<104x128xf32, #tpu.memory_space<vmem>>)
    %dma_start3A_77 = arith.constant 3 : i32
    %dma_start3A_78 = arith.constant 0 : i32
    %dma_start3A_79 = tpu.memref_slice %arg7[%dma_start3A_77, %dma_start3A_78] : memref<6x104xi32, #tpu.memory_space<vmem>> -> memref<1x104xi32, #tpu.memory_space<vmem>>
    %dma_start3A_80 = tpu.memref_squeeze %dma_start3A_79 : memref<1x104xi32, #tpu.memory_space<vmem>> -> memref<104xi32, #tpu.memory_space<vmem>>
    %dma_start3A_81 = arith.constant 0 : i32
    %dma_start3A_82 = arith.constant 0 : i32
    %dma_start3A_83 = tpu.memref_slice %arg14[%dma_start3A_81, %dma_start3A_82] : memref<10000x128xf32, #tpu.memory_space<vmem_shared>> -> memref<10000x128xf32, #tpu.memory_space<vmem_shared>>
    tpu.enqueue_indirect_dma source(%arg12 : memref<104x128xf32, #tpu.memory_space<vmem>>) target(%dma_start3A_83 : memref<10000x128xf32, #tpu.memory_space<vmem_shared>>) offsets(%dma_start3A_80 : memref<104xi32, #tpu.memory_space<vmem>>) semaphore(%arg19 : memref<!tpu.dma_semaphore, #tpu.memory_space<semaphore_mem>>) {add = true}
    %dma_wait3A_84 = arith.constant 4 : i32
    %dma_wait3A_85 = arith.constant 0 : i32
    %dma_wait3A_86 = tpu.memref_slice %arg7[%dma_wait3A_84, %dma_wait3A_85] : memref<6x104xi32, #tpu.memory_space<vmem>> -> memref<1x104xi32, #tpu.memory_space<vmem>>
    %dma_wait3A_87 = tpu.memref_squeeze %dma_wait3A_86 : memref<1x104xi32, #tpu.memory_space<vmem>> -> memref<104xi32, #tpu.memory_space<vmem>>
    %dma_wait3A_88 = arith.constant 0 : i32
    %dma_wait3A_89 = arith.constant 0 : i32
    %dma_wait3A_90 = tpu.memref_slice %arg2[%dma_wait3A_88, %dma_wait3A_89] : memref<10000x128xf32, #tpu.memory_space<hbm>> -> memref<10000x128xf32, #tpu.memory_space<hbm>>
    tpu.wait_indirect_dma semaphore(%arg17 : memref<!tpu.dma_semaphore, #tpu.memory_space<semaphore_mem>>) src(%dma_wait3A_90 : memref<10000x128xf32, #tpu.memory_space<hbm>>) dst(%arg13 : memref<104x128xf32, #tpu.memory_space<vmem>>)
    %dma_start3A_91 = arith.constant 5 : i32
    %dma_start3A_92 = arith.constant 0 : i32
    %dma_start3A_93 = tpu.memref_slice %arg7[%dma_start3A_91, %dma_start3A_92] : memref<6x104xi32, #tpu.memory_space<vmem>> -> memref<1x104xi32, #tpu.memory_space<vmem>>
    %dma_start3A_94 = tpu.memref_squeeze %dma_start3A_93 : memref<1x104xi32, #tpu.memory_space<vmem>> -> memref<104xi32, #tpu.memory_space<vmem>>
    %dma_start3A_95 = arith.constant 0 : i32
    %dma_start3A_96 = arith.constant 0 : i32
    %dma_start3A_97 = tpu.memref_slice %arg14[%dma_start3A_95, %dma_start3A_96] : memref<10000x128xf32, #tpu.memory_space<vmem_shared>> -> memref<10000x128xf32, #tpu.memory_space<vmem_shared>>
    tpu.enqueue_indirect_dma source(%arg13 : memref<104x128xf32, #tpu.memory_space<vmem>>) target(%dma_start3A_97 : memref<10000x128xf32, #tpu.memory_space<vmem_shared>>) offsets(%dma_start3A_94 : memref<104xi32, #tpu.memory_space<vmem>>) semaphore(%arg20 : memref<!tpu.dma_semaphore, #tpu.memory_space<semaphore_mem>>) {add = true}
    %dma_wait3A_98 = arith.constant 0 : i32
    %dma_wait3A_99 = arith.constant 0 : i32
    %dma_wait3A_100 = tpu.memref_slice %arg3[%mul3A_6, %dma_wait3A_98, %dma_wait3A_99] : memref<1024x6x104xi32, #tpu.memory_space<hbm>> -> memref<1x6x104xi32, #tpu.memory_space<hbm>>
    %dma_wait3A_101 = tpu.memref_squeeze %dma_wait3A_100 : memref<1x6x104xi32, #tpu.memory_space<hbm>> -> memref<6x104xi32, #tpu.memory_space<hbm>>
    %dma_wait3A_102 = arith.constant 0 : i32
    %dma_wait3A_103 = arith.constant 0 : i32
    %dma_wait3A_104 = tpu.memref_slice %arg3[%mul3A_6, %dma_wait3A_102, %dma_wait3A_103] : memref<1024x6x104xi32, #tpu.memory_space<hbm>> -> memref<1x6x104xi32, #tpu.memory_space<hbm>>
    %dma_wait3A_105 = tpu.memref_squeeze %dma_wait3A_104 : memref<1x6x104xi32, #tpu.memory_space<hbm>> -> memref<6x104xi32, #tpu.memory_space<hbm>>
    tpu.wait_dma2 semaphore(%arg22 : memref<!tpu.dma_semaphore, #tpu.memory_space<semaphore_mem>>) src(%dma_wait3A_105 : memref<6x104xi32, #tpu.memory_space<hbm>>) dst(%arg8 : memref<6x104xi32, #tpu.memory_space<vmem>>)
    %dma_wait3A_106 = arith.constant 1 : i32
    %dma_wait3A_107 = arith.constant 0 : i32
    %dma_wait3A_108 = tpu.memref_slice %arg7[%dma_wait3A_106, %dma_wait3A_107] : memref<6x104xi32, #tpu.memory_space<vmem>> -> memref<1x104xi32, #tpu.memory_space<vmem>>
    %dma_wait3A_109 = tpu.memref_squeeze %dma_wait3A_108 : memref<1x104xi32, #tpu.memory_space<vmem>> -> memref<104xi32, #tpu.memory_space<vmem>>
    %dma_wait3A_110 = arith.constant 0 : i32
    %dma_wait3A_111 = arith.constant 0 : i32
    %dma_wait3A_112 = tpu.memref_slice %arg14[%dma_wait3A_110, %dma_wait3A_111] : memref<10000x128xf32, #tpu.memory_space<vmem_shared>> -> memref<10000x128xf32, #tpu.memory_space<vmem_shared>>
    tpu.wait_indirect_dma semaphore(%arg18 : memref<!tpu.dma_semaphore, #tpu.memory_space<semaphore_mem>>) src(%arg11 : memref<104x128xf32, #tpu.memory_space<vmem>>) dst(%dma_wait3A_112 : memref<10000x128xf32, #tpu.memory_space<vmem_shared>>)
    %dma_start3A_113 = arith.constant 0 : i32
    %dma_start3A_114 = arith.constant 0 : i32
    %dma_start3A_115 = tpu.memref_slice %arg8[%dma_start3A_113, %dma_start3A_114] : memref<6x104xi32, #tpu.memory_space<vmem>> -> memref<1x104xi32, #tpu.memory_space<vmem>>
    %dma_start3A_116 = tpu.memref_squeeze %dma_start3A_115 : memref<1x104xi32, #tpu.memory_space<vmem>> -> memref<104xi32, #tpu.memory_space<vmem>>
    %dma_start3A_117 = arith.constant 0 : i32
    %dma_start3A_118 = arith.constant 0 : i32
    %dma_start3A_119 = tpu.memref_slice %arg2[%dma_start3A_117, %dma_start3A_118] : memref<10000x128xf32, #tpu.memory_space<hbm>> -> memref<10000x128xf32, #tpu.memory_space<hbm>>
    tpu.enqueue_indirect_dma source(%dma_start3A_119 : memref<10000x128xf32, #tpu.memory_space<hbm>>) target(%arg11 : memref<104x128xf32, #tpu.memory_space<vmem>>) offsets(%dma_start3A_116 : memref<104xi32, #tpu.memory_space<vmem>>) semaphore(%arg15 : memref<!tpu.dma_semaphore, #tpu.memory_space<semaphore_mem>>)
    %dma_wait3A_120 = arith.constant 1 : i32
    %dma_wait3A_121 = arith.constant 0 : i32
    %dma_wait3A_122 = tpu.memref_slice %arg7[%dma_wait3A_120, %dma_wait3A_121] : memref<6x104xi32, #tpu.memory_space<vmem>> -> memref<1x104xi32, #tpu.memory_space<vmem>>
    %dma_wait3A_123 = tpu.memref_squeeze %dma_wait3A_122 : memref<1x104xi32, #tpu.memory_space<vmem>> -> memref<104xi32, #tpu.memory_space<vmem>>
    %dma_wait3A_124 = arith.constant 0 : i32
    %dma_wait3A_125 = arith.constant 0 : i32
    %dma_wait3A_126 = tpu.memref_slice %arg14[%dma_wait3A_124, %dma_wait3A_125] : memref<10000x128xf32, #tpu.memory_space<vmem_shared>> -> memref<10000x128xf32, #tpu.memory_space<vmem_shared>>
    tpu.wait_indirect_dma semaphore(%arg19 : memref<!tpu.dma_semaphore, #tpu.memory_space<semaphore_mem>>) src(%arg12 : memref<104x128xf32, #tpu.memory_space<vmem>>) dst(%dma_wait3A_126 : memref<10000x128xf32, #tpu.memory_space<vmem_shared>>)
    %dma_start3A_127 = arith.constant 2 : i32
    %dma_start3A_128 = arith.constant 0 : i32
    %dma_start3A_129 = tpu.memref_slice %arg8[%dma_start3A_127, %dma_start3A_128] : memref<6x104xi32, #tpu.memory_space<vmem>> -> memref<1x104xi32, #tpu.memory_space<vmem>>
    %dma_start3A_130 = tpu.memref_squeeze %dma_start3A_129 : memref<1x104xi32, #tpu.memory_space<vmem>> -> memref<104xi32, #tpu.memory_space<vmem>>
    %dma_start3A_131 = arith.constant 0 : i32
    %dma_start3A_132 = arith.constant 0 : i32
    %dma_start3A_133 = tpu.memref_slice %arg2[%dma_start3A_131, %dma_start3A_132] : memref<10000x128xf32, #tpu.memory_space<hbm>> -> memref<10000x128xf32, #tpu.memory_space<hbm>>
    tpu.enqueue_indirect_dma source(%dma_start3A_133 : memref<10000x128xf32, #tpu.memory_space<hbm>>) target(%arg12 : memref<104x128xf32, #tpu.memory_space<vmem>>) offsets(%dma_start3A_130 : memref<104xi32, #tpu.memory_space<vmem>>) semaphore(%arg16 : memref<!tpu.dma_semaphore, #tpu.memory_space<semaphore_mem>>)
    %dma_wait3A_134 = arith.constant 1 : i32
    %dma_wait3A_135 = arith.constant 0 : i32
    %dma_wait3A_136 = tpu.memref_slice %arg7[%dma_wait3A_134, %dma_wait3A_135] : memref<6x104xi32, #tpu.memory_space<vmem>> -> memref<1x104xi32, #tpu.memory_space<vmem>>
    %dma_wait3A_137 = tpu.memref_squeeze %dma_wait3A_136 : memref<1x104xi32, #tpu.memory_space<vmem>> -> memref<104xi32, #tpu.memory_space<vmem>>
    %dma_wait3A_138 = arith.constant 0 : i32
    %dma_wait3A_139 = arith.constant 0 : i32
    %dma_wait3A_140 = tpu.memref_slice %arg14[%dma_wait3A_138, %dma_wait3A_139] : memref<10000x128xf32, #tpu.memory_space<vmem_shared>> -> memref<10000x128xf32, #tpu.memory_space<vmem_shared>>
    tpu.wait_indirect_dma semaphore(%arg20 : memref<!tpu.dma_semaphore, #tpu.memory_space<semaphore_mem>>) src(%arg13 : memref<104x128xf32, #tpu.memory_space<vmem>>) dst(%dma_wait3A_140 : memref<10000x128xf32, #tpu.memory_space<vmem_shared>>)
    %dma_start3A_141 = arith.constant 4 : i32
    %dma_start3A_142 = arith.constant 0 : i32
    %dma_start3A_143 = tpu.memref_slice %arg8[%dma_start3A_141, %dma_start3A_142] : memref<6x104xi32, #tpu.memory_space<vmem>> -> memref<1x104xi32, #tpu.memory_space<vmem>>
    %dma_start3A_144 = tpu.memref_squeeze %dma_start3A_143 : memref<1x104xi32, #tpu.memory_space<vmem>> -> memref<104xi32, #tpu.memory_space<vmem>>
    %dma_start3A_145 = arith.constant 0 : i32
    %dma_start3A_146 = arith.constant 0 : i32
    %dma_start3A_147 = tpu.memref_slice %arg2[%dma_start3A_145, %dma_start3A_146] : memref<10000x128xf32, #tpu.memory_space<hbm>> -> memref<10000x128xf32, #tpu.memory_space<hbm>>
    tpu.enqueue_indirect_dma source(%dma_start3A_147 : memref<10000x128xf32, #tpu.memory_space<hbm>>) target(%arg13 : memref<104x128xf32, #tpu.memory_space<vmem>>) offsets(%dma_start3A_144 : memref<104xi32, #tpu.memory_space<vmem>>) semaphore(%arg17 : memref<!tpu.dma_semaphore, #tpu.memory_space<semaphore_mem>>)
    %min3A = arith.constant 32 : i32
    %min3A_148 = arith.constant 31 : i32
    %min3A_149 = arith.minsi %min3A, %min3A_148 : i32
    %add3A_150 = arith.addi %mul3A_6, %min3A_149 : i32
    %dma_start3A_151 = arith.constant 0 : i32
    %dma_start3A_152 = arith.constant 0 : i32
    %dma_start3A_153 = tpu.memref_slice %arg3[%add3A_150, %dma_start3A_151, %dma_start3A_152] : memref<1024x6x104xi32, #tpu.memory_space<hbm>> -> memref<1x6x104xi32, #tpu.memory_space<hbm>>
    %dma_start3A_154 = tpu.memref_squeeze %dma_start3A_153 : memref<1x6x104xi32, #tpu.memory_space<hbm>> -> memref<6x104xi32, #tpu.memory_space<hbm>>
    %dma_start3A_155 = arith.constant 0 : i32
    %dma_start3A_156 = arith.constant 0 : i32
    %dma_start3A_157 = tpu.memref_slice %arg3[%add3A_150, %dma_start3A_155, %dma_start3A_156] : memref<1024x6x104xi32, #tpu.memory_space<hbm>> -> memref<1x6x104xi32, #tpu.memory_space<hbm>>
    %dma_start3A_158 = tpu.memref_squeeze %dma_start3A_157 : memref<1x6x104xi32, #tpu.memory_space<hbm>> -> memref<6x104xi32, #tpu.memory_space<hbm>>
    tpu.enqueue_dma source(%dma_start3A_158 : memref<6x104xi32, #tpu.memory_space<hbm>>) target(%arg7 : memref<6x104xi32, #tpu.memory_space<vmem>>) target_semaphore(%arg21 : memref<!tpu.dma_semaphore, #tpu.memory_space<semaphore_mem>>)
    %dma_wait3A_159 = arith.constant 0 : i32
    %dma_wait3A_160 = arith.constant 0 : i32
    %dma_wait3A_161 = tpu.memref_slice %arg7[%dma_wait3A_159, %dma_wait3A_160] : memref<6x104xi32, #tpu.memory_space<vmem>> -> memref<1x104xi32, #tpu.memory_space<vmem>>
    %dma_wait3A_162 = tpu.memref_squeeze %dma_wait3A_161 : memref<1x104xi32, #tpu.memory_space<vmem>> -> memref<104xi32, #tpu.memory_space<vmem>>
    %dma_wait3A_163 = arith.constant 0 : i32
    %dma_wait3A_164 = arith.constant 0 : i32
    %dma_wait3A_165 = tpu.memref_slice %arg2[%dma_wait3A_163, %dma_wait3A_164] : memref<10000x128xf32, #tpu.memory_space<hbm>> -> memref<10000x128xf32, #tpu.memory_space<hbm>>
    tpu.wait_indirect_dma semaphore(%arg15 : memref<!tpu.dma_semaphore, #tpu.memory_space<semaphore_mem>>) src(%dma_wait3A_165 : memref<10000x128xf32, #tpu.memory_space<hbm>>) dst(%arg11 : memref<104x128xf32, #tpu.memory_space<vmem>>)
    %dma_start3A_166 = arith.constant 1 : i32
    %dma_start3A_167 = arith.constant 0 : i32
    %dma_start3A_168 = tpu.memref_slice %arg8[%dma_start3A_166, %dma_start3A_167] : memref<6x104xi32, #tpu.memory_space<vmem>> -> memref<1x104xi32, #tpu.memory_space<vmem>>
    %dma_start3A_169 = tpu.memref_squeeze %dma_start3A_168 : memref<1x104xi32, #tpu.memory_space<vmem>> -> memref<104xi32, #tpu.memory_space<vmem>>
    %dma_start3A_170 = arith.constant 0 : i32
    %dma_start3A_171 = arith.constant 0 : i32
    %dma_start3A_172 = tpu.memref_slice %arg14[%dma_start3A_170, %dma_start3A_171] : memref<10000x128xf32, #tpu.memory_space<vmem_shared>> -> memref<10000x128xf32, #tpu.memory_space<vmem_shared>>
    tpu.enqueue_indirect_dma source(%arg11 : memref<104x128xf32, #tpu.memory_space<vmem>>) target(%dma_start3A_172 : memref<10000x128xf32, #tpu.memory_space<vmem_shared>>) offsets(%dma_start3A_169 : memref<104xi32, #tpu.memory_space<vmem>>) semaphore(%arg18 : memref<!tpu.dma_semaphore, #tpu.memory_space<semaphore_mem>>) {add = true}
    %dma_wait3A_173 = arith.constant 2 : i32
    %dma_wait3A_174 = arith.constant 0 : i32
    %dma_wait3A_175 = tpu.memref_slice %arg7[%dma_wait3A_173, %dma_wait3A_174] : memref<6x104xi32, #tpu.memory_space<vmem>> -> memref<1x104xi32, #tpu.memory_space<vmem>>
    %dma_wait3A_176 = tpu.memref_squeeze %dma_wait3A_175 : memref<1x104xi32, #tpu.memory_space<vmem>> -> memref<104xi32, #tpu.memory_space<vmem>>
    %dma_wait3A_177 = arith.constant 0 : i32
    %dma_wait3A_178 = arith.constant 0 : i32
    %dma_wait3A_179 = tpu.memref_slice %arg2[%dma_wait3A_177, %dma_wait3A_178] : memref<10000x128xf32, #tpu.memory_space<hbm>> -> memref<10000x128xf32, #tpu.memory_space<hbm>>
    tpu.wait_indirect_dma semaphore(%arg16 : memref<!tpu.dma_semaphore, #tpu.memory_space<semaphore_mem>>) src(%dma_wait3A_179 : memref<10000x128xf32, #tpu.memory_space<hbm>>) dst(%arg12 : memref<104x128xf32, #tpu.memory_space<vmem>>)
    %dma_start3A_180 = arith.constant 3 : i32
    %dma_start3A_181 = arith.constant 0 : i32
    %dma_start3A_182 = tpu.memref_slice %arg8[%dma_start3A_180, %dma_start3A_181] : memref<6x104xi32, #tpu.memory_space<vmem>> -> memref<1x104xi32, #tpu.memory_space<vmem>>
    %dma_start3A_183 = tpu.memref_squeeze %dma_start3A_182 : memref<1x104xi32, #tpu.memory_space<vmem>> -> memref<104xi32, #tpu.memory_space<vmem>>
    %dma_start3A_184 = arith.constant 0 : i32
    %dma_start3A_185 = arith.constant 0 : i32
    %dma_start3A_186 = tpu.memref_slice %arg14[%dma_start3A_184, %dma_start3A_185] : memref<10000x128xf32, #tpu.memory_space<vmem_shared>> -> memref<10000x128xf32, #tpu.memory_space<vmem_shared>>
    tpu.enqueue_indirect_dma source(%arg12 : memref<104x128xf32, #tpu.memory_space<vmem>>) target(%dma_start3A_186 : memref<10000x128xf32, #tpu.memory_space<vmem_shared>>) offsets(%dma_start3A_183 : memref<104xi32, #tpu.memory_space<vmem>>) semaphore(%arg19 : memref<!tpu.dma_semaphore, #tpu.memory_space<semaphore_mem>>) {add = true}
    %dma_wait3A_187 = arith.constant 4 : i32
    %dma_wait3A_188 = arith.constant 0 : i32
    %dma_wait3A_189 = tpu.memref_slice %arg7[%dma_wait3A_187, %dma_wait3A_188] : memref<6x104xi32, #tpu.memory_space<vmem>> -> memref<1x104xi32, #tpu.memory_space<vmem>>
    %dma_wait3A_190 = tpu.memref_squeeze %dma_wait3A_189 : memref<1x104xi32, #tpu.memory_space<vmem>> -> memref<104xi32, #tpu.memory_space<vmem>>
    %dma_wait3A_191 = arith.constant 0 : i32
    %dma_wait3A_192 = arith.constant 0 : i32
    %dma_wait3A_193 = tpu.memref_slice %arg2[%dma_wait3A_191, %dma_wait3A_192] : memref<10000x128xf32, #tpu.memory_space<hbm>> -> memref<10000x128xf32, #tpu.memory_space<hbm>>
    tpu.wait_indirect_dma semaphore(%arg17 : memref<!tpu.dma_semaphore, #tpu.memory_space<semaphore_mem>>) src(%dma_wait3A_193 : memref<10000x128xf32, #tpu.memory_space<hbm>>) dst(%arg13 : memref<104x128xf32, #tpu.memory_space<vmem>>)
    %dma_start3A_194 = arith.constant 5 : i32
    %dma_start3A_195 = arith.constant 0 : i32
    %dma_start3A_196 = tpu.memref_slice %arg8[%dma_start3A_194, %dma_start3A_195] : memref<6x104xi32, #tpu.memory_space<vmem>> -> memref<1x104xi32, #tpu.memory_space<vmem>>
    %dma_start3A_197 = tpu.memref_squeeze %dma_start3A_196 : memref<1x104xi32, #tpu.memory_space<vmem>> -> memref<104xi32, #tpu.memory_space<vmem>>
    %dma_start3A_198 = arith.constant 0 : i32
    %dma_start3A_199 = arith.constant 0 : i32
    %dma_start3A_200 = tpu.memref_slice %arg14[%dma_start3A_198, %dma_start3A_199] : memref<10000x128xf32, #tpu.memory_space<vmem_shared>> -> memref<10000x128xf32, #tpu.memory_space<vmem_shared>>
    tpu.enqueue_indirect_dma source(%arg13 : memref<104x128xf32, #tpu.memory_space<vmem>>) target(%dma_start3A_200 : memref<10000x128xf32, #tpu.memory_space<vmem_shared>>) offsets(%dma_start3A_197 : memref<104xi32, #tpu.memory_space<vmem>>) semaphore(%arg20 : memref<!tpu.dma_semaphore, #tpu.memory_space<semaphore_mem>>) {add = true}
    %dma_wait3A_201 = arith.constant 1 : i32
    %dma_wait3A_202 = arith.constant 0 : i32
    %dma_wait3A_203 = tpu.memref_slice %arg7[%dma_wait3A_201, %dma_wait3A_202] : memref<6x104xi32, #tpu.memory_space<vmem>> -> memref<1x104xi32, #tpu.memory_space<vmem>>
    %dma_wait3A_204 = tpu.memref_squeeze %dma_wait3A_203 : memref<1x104xi32, #tpu.memory_space<vmem>> -> memref<104xi32, #tpu.memory_space<vmem>>
    %dma_wait3A_205 = arith.constant 0 : i32
    %dma_wait3A_206 = arith.constant 0 : i32
    %dma_wait3A_207 = tpu.memref_slice %arg14[%dma_wait3A_205, %dma_wait3A_206] : memref<10000x128xf32, #tpu.memory_space<vmem_shared>> -> memref<10000x128xf32, #tpu.memory_space<vmem_shared>>
    tpu.wait_indirect_dma semaphore(%arg18 : memref<!tpu.dma_semaphore, #tpu.memory_space<semaphore_mem>>) src(%arg11 : memref<104x128xf32, #tpu.memory_space<vmem>>) dst(%dma_wait3A_207 : memref<10000x128xf32, #tpu.memory_space<vmem_shared>>)
    %dma_wait3A_208 = arith.constant 1 : i32
    %dma_wait3A_209 = arith.constant 0 : i32
    %dma_wait3A_210 = tpu.memref_slice %arg7[%dma_wait3A_208, %dma_wait3A_209] : memref<6x104xi32, #tpu.memory_space<vmem>> -> memref<1x104xi32, #tpu.memory_space<vmem>>
    %dma_wait3A_211 = tpu.memref_squeeze %dma_wait3A_210 : memref<1x104xi32, #tpu.memory_space<vmem>> -> memref<104xi32, #tpu.memory_space<vmem>>
    %dma_wait3A_212 = arith.constant 0 : i32
    %dma_wait3A_213 = arith.constant 0 : i32
    %dma_wait3A_214 = tpu.memref_slice %arg14[%dma_wait3A_212, %dma_wait3A_213] : memref<10000x128xf32, #tpu.memory_space<vmem_shared>> -> memref<10000x128xf32, #tpu.memory_space<vmem_shared>>
    tpu.wait_indirect_dma semaphore(%arg19 : memref<!tpu.dma_semaphore, #tpu.memory_space<semaphore_mem>>) src(%arg12 : memref<104x128xf32, #tpu.memory_space<vmem>>) dst(%dma_wait3A_214 : memref<10000x128xf32, #tpu.memory_space<vmem_shared>>)
    %dma_wait3A_215 = arith.constant 1 : i32
    %dma_wait3A_216 = arith.constant 0 : i32
    %dma_wait3A_217 = tpu.memref_slice %arg7[%dma_wait3A_215, %dma_wait3A_216] : memref<6x104xi32, #tpu.memory_space<vmem>> -> memref<1x104xi32, #tpu.memory_space<vmem>>
    %dma_wait3A_218 = tpu.memref_squeeze %dma_wait3A_217 : memref<1x104xi32, #tpu.memory_space<vmem>> -> memref<104xi32, #tpu.memory_space<vmem>>
    %dma_wait3A_219 = arith.constant 0 : i32
    %dma_wait3A_220 = arith.constant 0 : i32
    %dma_wait3A_221 = tpu.memref_slice %arg14[%dma_wait3A_219, %dma_wait3A_220] : memref<10000x128xf32, #tpu.memory_space<vmem_shared>> -> memref<10000x128xf32, #tpu.memory_space<vmem_shared>>
    tpu.wait_indirect_dma semaphore(%arg20 : memref<!tpu.dma_semaphore, #tpu.memory_space<semaphore_mem>>) src(%arg13 : memref<104x128xf32, #tpu.memory_space<vmem>>) dst(%dma_wait3A_221 : memref<10000x128xf32, #tpu.memory_space<vmem_shared>>)
    %dma_wait3A_222 = arith.constant 0 : i32
    %dma_wait3A_223 = arith.constant 0 : i32
    %dma_wait3A_224 = tpu.memref_slice %arg3[%mul3A_6, %dma_wait3A_222, %dma_wait3A_223] : memref<1024x6x104xi32, #tpu.memory_space<hbm>> -> memref<1x6x104xi32, #tpu.memory_space<hbm>>
    %dma_wait3A_225 = tpu.memref_squeeze %dma_wait3A_224 : memref<1x6x104xi32, #tpu.memory_space<hbm>> -> memref<6x104xi32, #tpu.memory_space<hbm>>
    %dma_wait3A_226 = arith.constant 0 : i32
    %dma_wait3A_227 = arith.constant 0 : i32
    %dma_wait3A_228 = tpu.memref_slice %arg3[%mul3A_6, %dma_wait3A_226, %dma_wait3A_227] : memref<1024x6x104xi32, #tpu.memory_space<hbm>> -> memref<1x6x104xi32, #tpu.memory_space<hbm>>
    %dma_wait3A_229 = tpu.memref_squeeze %dma_wait3A_228 : memref<1x6x104xi32, #tpu.memory_space<hbm>> -> memref<6x104xi32, #tpu.memory_space<hbm>>
    tpu.wait_dma2 semaphore(%arg21 : memref<!tpu.dma_semaphore, #tpu.memory_space<semaphore_mem>>) src(%dma_wait3A_229 : memref<6x104xi32, #tpu.memory_space<hbm>>) dst(%arg7 : memref<6x104xi32, #tpu.memory_space<vmem>>)
    %add3A_230 = arith.constant 9984 : i32
    %add3A_231 = arith.addi %multiple_of3A, %add3A_230 : i32
    %multiple_of3A_232 = tpu.assume_multiple %add3A_231, 8 : i32
    "tpu.region"() ({
      %run_scoped3A = tpu.sem_alloc : memref<!tpu.dma_semaphore, #tpu.memory_space<semaphore_mem>>
      %dma_start3A_251 = tpu.memref_slice %arg4[%multiple_of3A_232] : memref<320000xi32, #tpu.memory_space<hbm>> -> memref<16xi32, #tpu.memory_space<hbm>>
      %dma_start3A_252 = tpu.memref_slice %arg4[%multiple_of3A_232] : memref<320000xi32, #tpu.memory_space<hbm>> -> memref<16xi32, #tpu.memory_space<hbm>>
      tpu.enqueue_dma source(%dma_start3A_252 : memref<16xi32, #tpu.memory_space<hbm>>) target(%arg9 : memref<16xi32, #tpu.memory_space<vmem>>) target_semaphore(%run_scoped3A : memref<!tpu.dma_semaphore, #tpu.memory_space<semaphore_mem>>)
      %dma_wait3A_253 = tpu.memref_slice %arg4[%multiple_of3A_232] : memref<320000xi32, #tpu.memory_space<hbm>> -> memref<16xi32, #tpu.memory_space<hbm>>
      %dma_wait3A_254 = tpu.memref_slice %arg4[%multiple_of3A_232] : memref<320000xi32, #tpu.memory_space<hbm>> -> memref<16xi32, #tpu.memory_space<hbm>>
      tpu.wait_dma2 semaphore(%run_scoped3A : memref<!tpu.dma_semaphore, #tpu.memory_space<semaphore_mem>>) src(%dma_wait3A_254 : memref<16xi32, #tpu.memory_space<hbm>>) dst(%arg9 : memref<16xi32, #tpu.memory_space<vmem>>)
      tpu.yield
    }) : () -> ()
    %dma_start3A_233 = arith.constant 0 : i32
    %dma_start3A_234 = arith.constant 0 : i32
    %dma_start3A_235 = tpu.memref_slice %arg11[%dma_start3A_233, %dma_start3A_234] : memref<104x128xf32, #tpu.memory_space<vmem>> -> memref<16x128xf32, #tpu.memory_space<vmem>>
    %dma_start3A_236 = arith.constant 0 : i32
    %dma_start3A_237 = arith.constant 0 : i32
    %dma_start3A_238 = tpu.memref_slice %arg2[%dma_start3A_236, %dma_start3A_237] : memref<10000x128xf32, #tpu.memory_space<hbm>> -> memref<10000x128xf32, #tpu.memory_space<hbm>>
    tpu.enqueue_indirect_dma source(%dma_start3A_238 : memref<10000x128xf32, #tpu.memory_space<hbm>>) target(%dma_start3A_235 : memref<16x128xf32, #tpu.memory_space<vmem>>) offsets(%arg9 : memref<16xi32, #tpu.memory_space<vmem>>) semaphore(%arg15 : memref<!tpu.dma_semaphore, #tpu.memory_space<semaphore_mem>>)
    %dma_wait3A_239 = arith.constant 0 : i32
    %dma_wait3A_240 = arith.constant 0 : i32
    %dma_wait3A_241 = tpu.memref_slice %arg11[%dma_wait3A_239, %dma_wait3A_240] : memref<104x128xf32, #tpu.memory_space<vmem>> -> memref<16x128xf32, #tpu.memory_space<vmem>>
    %dma_wait3A_242 = arith.constant 0 : i32
    %dma_wait3A_243 = arith.constant 0 : i32
    %dma_wait3A_244 = tpu.memref_slice %arg2[%dma_wait3A_242, %dma_wait3A_243] : memref<10000x128xf32, #tpu.memory_space<hbm>> -> memref<10000x128xf32, #tpu.memory_space<hbm>>
    tpu.wait_indirect_dma semaphore(%arg15 : memref<!tpu.dma_semaphore, #tpu.memory_space<semaphore_mem>>) src(%dma_wait3A_244 : memref<10000x128xf32, #tpu.memory_space<hbm>>) dst(%dma_wait3A_241 : memref<16x128xf32, #tpu.memory_space<vmem>>)
    "tpu.region"() ({
      %run_scoped3A = tpu.sem_alloc : memref<!tpu.dma_semaphore, #tpu.memory_space<semaphore_mem>>
      %dma_start3A_251 = tpu.memref_slice %arg5[%multiple_of3A_232] : memref<320000xi32, #tpu.memory_space<hbm>> -> memref<16xi32, #tpu.memory_space<hbm>>
      %dma_start3A_252 = tpu.memref_slice %arg5[%multiple_of3A_232] : memref<320000xi32, #tpu.memory_space<hbm>> -> memref<16xi32, #tpu.memory_space<hbm>>
      tpu.enqueue_dma source(%dma_start3A_252 : memref<16xi32, #tpu.memory_space<hbm>>) target(%arg10 : memref<16xi32, #tpu.memory_space<vmem>>) target_semaphore(%run_scoped3A : memref<!tpu.dma_semaphore, #tpu.memory_space<semaphore_mem>>)
      %dma_wait3A_253 = tpu.memref_slice %arg5[%multiple_of3A_232] : memref<320000xi32, #tpu.memory_space<hbm>> -> memref<16xi32, #tpu.memory_space<hbm>>
      %dma_wait3A_254 = tpu.memref_slice %arg5[%multiple_of3A_232] : memref<320000xi32, #tpu.memory_space<hbm>> -> memref<16xi32, #tpu.memory_space<hbm>>
      tpu.wait_dma2 semaphore(%run_scoped3A : memref<!tpu.dma_semaphore, #tpu.memory_space<semaphore_mem>>) src(%dma_wait3A_254 : memref<16xi32, #tpu.memory_space<hbm>>) dst(%arg10 : memref<16xi32, #tpu.memory_space<vmem>>)
      tpu.yield
    }) : () -> ()
    "tpu.region"() ({
      %run_scoped3A = tpu.sem_alloc : memref<!tpu.dma_semaphore, #tpu.memory_space<semaphore_mem>>
      %dma_start3A_251 = arith.constant 0 : i32
      %dma_start3A_252 = arith.constant 0 : i32
      %dma_start3A_253 = tpu.memref_slice %arg11[%dma_start3A_251, %dma_start3A_252] : memref<104x128xf32, #tpu.memory_space<vmem>> -> memref<16x128xf32, #tpu.memory_space<vmem>>
      %dma_start3A_254 = arith.constant 0 : i32
      %dma_start3A_255 = arith.constant 0 : i32
      %dma_start3A_256 = tpu.memref_slice %arg14[%dma_start3A_254, %dma_start3A_255] : memref<10000x128xf32, #tpu.memory_space<vmem_shared>> -> memref<10000x128xf32, #tpu.memory_space<vmem_shared>>
      tpu.enqueue_indirect_dma source(%dma_start3A_253 : memref<16x128xf32, #tpu.memory_space<vmem>>) target(%dma_start3A_256 : memref<10000x128xf32, #tpu.memory_space<vmem_shared>>) offsets(%arg10 : memref<16xi32, #tpu.memory_space<vmem>>) semaphore(%run_scoped3A : memref<!tpu.dma_semaphore, #tpu.memory_space<semaphore_mem>>) {add = true}
      %dma_wait3A_257 = arith.constant 0 : i32
      %dma_wait3A_258 = arith.constant 0 : i32
      %dma_wait3A_259 = tpu.memref_slice %arg11[%dma_wait3A_257, %dma_wait3A_258] : memref<104x128xf32, #tpu.memory_space<vmem>> -> memref<16x128xf32, #tpu.memory_space<vmem>>
      %dma_wait3A_260 = arith.constant 0 : i32
      %dma_wait3A_261 = arith.constant 0 : i32
      %dma_wait3A_262 = tpu.memref_slice %arg14[%dma_wait3A_260, %dma_wait3A_261] : memref<10000x128xf32, #tpu.memory_space<vmem_shared>> -> memref<10000x128xf32, #tpu.memory_space<vmem_shared>>
      tpu.wait_indirect_dma semaphore(%run_scoped3A : memref<!tpu.dma_semaphore, #tpu.memory_space<semaphore_mem>>) src(%dma_wait3A_259 : memref<16x128xf32, #tpu.memory_space<vmem>>) dst(%dma_wait3A_262 : memref<10000x128xf32, #tpu.memory_space<vmem_shared>>)
      tpu.yield
    }) : () -> ()
    %barrier3A_245 = arith.constant 0 : index
    tpu.barrier barrier_id(%barrier3A_245)
    "tpu.region"() ({
      %run_scoped3A = tpu.sem_alloc : memref<!tpu.dma_semaphore, #tpu.memory_space<semaphore_mem>>
      %dma_start3A_251 = arith.constant 0 : i32
      %dma_start3A_252 = tpu.memref_slice %arg6[%arg0, %mul3A_4, %dma_start3A_251] : memref<2x10000x128xf32, #tpu.memory_space<hbm>> -> memref<1x624x128xf32, #tpu.memory_space<hbm>>
      %dma_start3A_253 = tpu.memref_squeeze %dma_start3A_252 : memref<1x624x128xf32, #tpu.memory_space<hbm>> -> memref<624x128xf32, #tpu.memory_space<hbm>>
      %dma_start3A_254 = arith.constant 0 : i32
      %dma_start3A_255 = tpu.memref_slice %arg14[%mul3A_4, %dma_start3A_254] : memref<10000x128xf32, #tpu.memory_space<vmem_shared>> -> memref<624x128xf32, #tpu.memory_space<vmem_shared>>
      tpu.enqueue_dma source(%dma_start3A_255 : memref<624x128xf32, #tpu.memory_space<vmem_shared>>) target(%dma_start3A_253 : memref<624x128xf32, #tpu.memory_space<hbm>>) target_semaphore(%run_scoped3A : memref<!tpu.dma_semaphore, #tpu.memory_space<semaphore_mem>>)
      %dma_wait3A_256 = arith.constant 0 : i32
      %dma_wait3A_257 = tpu.memref_slice %arg6[%arg0, %mul3A_4, %dma_wait3A_256] : memref<2x10000x128xf32, #tpu.memory_space<hbm>> -> memref<1x624x128xf32, #tpu.memory_space<hbm>>
      %dma_wait3A_258 = tpu.memref_squeeze %dma_wait3A_257 : memref<1x624x128xf32, #tpu.memory_space<hbm>> -> memref<624x128xf32, #tpu.memory_space<hbm>>
      %dma_wait3A_259 = arith.constant 0 : i32
      %dma_wait3A_260 = tpu.memref_slice %arg14[%mul3A_4, %dma_wait3A_259] : memref<10000x128xf32, #tpu.memory_space<vmem_shared>> -> memref<624x128xf32, #tpu.memory_space<vmem_shared>>
      tpu.wait_dma2 semaphore(%run_scoped3A : memref<!tpu.dma_semaphore, #tpu.memory_space<semaphore_mem>>) src(%dma_wait3A_260 : memref<624x128xf32, #tpu.memory_space<vmem_shared>>) dst(%dma_wait3A_258 : memref<624x128xf32, #tpu.memory_space<hbm>>)
      tpu.yield
    }) : () -> ()
    %eq3A_246 = arith.constant 15 : i32
    %eq3A_247 = arith.cmpi eq, %arg1, %eq3A_246 : i32
    %convert_element_type3A_248 = arith.extui %eq3A_247 : i1 to i32
    %cond3A_249 = arith.constant 0 : i32
    %cond3A_250 = arith.cmpi ne, %convert_element_type3A_248, %cond3A_249 : i32
    scf.if %cond3A_250 {
      "tpu.region"() ({
        %run_scoped3A = tpu.sem_alloc : memref<!tpu.dma_semaphore, #tpu.memory_space<semaphore_mem>>
        %dma_start3A_251 = arith.constant 9984 : i32
        %dma_start3A_252 = arith.constant 0 : i32
        %dma_start3A_253 = tpu.memref_slice %arg6[%arg0, %dma_start3A_251, %dma_start3A_252] : memref<2x10000x128xf32, #tpu.memory_space<hbm>> -> memref<1x16x128xf32, #tpu.memory_space<hbm>>
        %dma_start3A_254 = tpu.memref_squeeze %dma_start3A_253 : memref<1x16x128xf32, #tpu.memory_space<hbm>> -> memref<16x128xf32, #tpu.memory_space<hbm>>
        %dma_start3A_255 = arith.constant 9984 : i32
        %dma_start3A_256 = arith.constant 0 : i32
        %dma_start3A_257 = tpu.memref_slice %arg14[%dma_start3A_255, %dma_start3A_256] : memref<10000x128xf32, #tpu.memory_space<vmem_shared>> -> memref<16x128xf32, #tpu.memory_space<vmem_shared>>
        tpu.enqueue_dma source(%dma_start3A_257 : memref<16x128xf32, #tpu.memory_space<vmem_shared>>) target(%dma_start3A_254 : memref<16x128xf32, #tpu.memory_space<hbm>>) target_semaphore(%run_scoped3A : memref<!tpu.dma_semaphore, #tpu.memory_space<semaphore_mem>>)
        %dma_wait3A_258 = arith.constant 9984 : i32
        %dma_wait3A_259 = arith.constant 0 : i32
        %dma_wait3A_260 = tpu.memref_slice %arg6[%arg0, %dma_wait3A_258, %dma_wait3A_259] : memref<2x10000x128xf32, #tpu.memory_space<hbm>> -> memref<1x16x128xf32, #tpu.memory_space<hbm>>
        %dma_wait3A_261 = tpu.memref_squeeze %dma_wait3A_260 : memref<1x16x128xf32, #tpu.memory_space<hbm>> -> memref<16x128xf32, #tpu.memory_space<hbm>>
        %dma_wait3A_262 = arith.constant 9984 : i32
        %dma_wait3A_263 = arith.constant 0 : i32
        %dma_wait3A_264 = tpu.memref_slice %arg14[%dma_wait3A_262, %dma_wait3A_263] : memref<10000x128xf32, #tpu.memory_space<vmem_shared>> -> memref<16x128xf32, #tpu.memory_space<vmem_shared>>
        tpu.wait_dma2 semaphore(%run_scoped3A : memref<!tpu.dma_semaphore, #tpu.memory_space<semaphore_mem>>) src(%dma_wait3A_264 : memref<16x128xf32, #tpu.memory_space<vmem_shared>>) dst(%dma_wait3A_261 : memref<16x128xf32, #tpu.memory_space<hbm>>)
        tpu.yield
      }) : () -> ()
    } else {
    }
    return
  }
}

module attributes {stable_mosaic.version = 14 : i64} {
  func.func @_prep_body(%arg0: i32, %arg1: memref<1000x128xf32, #tpu.memory_space<vmem>>, %arg2: memref<128x128xf32, #tpu.memory_space<vmem>>, %arg3: memref<1000x32xf32, #tpu.memory_space<vmem>>, %arg4: memref<1000x128xf32, #tpu.memory_space<vmem>>, %arg5: memref<1000x1xf32, #tpu.memory_space<vmem>>) attributes {dimension_semantics = [#tpu.dimension_semantics<arbitrary>], iteration_bounds = array<i64: 10>, scalar_prefetch = 0 : i64, scratch_operands = 0 : i64, tpu.core_type = #tpu.core_type<tc>, window_params = [{transform_indices = @transform_0, window_bounds = array<i64: 1000, 128>}, {pipeline_mode = #tpu.pipeline_mode<synchronous>, transform_indices = @transform_1, window_bounds = array<i64: 128, 128>}, {transform_indices = @transform_2, window_bounds = array<i64: 1000, 32>}, {transform_indices = @transform_3, window_bounds = array<i64: 1000, 128>}, {transform_indices = @transform_4, window_bounds = array<i64: 1000, 1>}]} {
    %get3A = arith.constant 0 : index
    %get3A_0 = arith.constant 0 : index
    %get3A_1 = vector.load %arg3[%get3A, %get3A_0] : memref<1000x32xf32, #tpu.memory_space<vmem>>, vector<1000x32xf32>
    %reduce_sum3A = arith.constant dense<0.000000e+00> : vector<1000xf32>
    %reduce_sum3A_2 = vector.multi_reduction <add>, %get3A_1, %reduce_sum3A [1] : vector<1000x32xf32> to vector<1000xf32>
    %gt3A = arith.constant 0.000000e+00 : f32
    %gt3A_3 = vector.broadcast %gt3A : f32 to vector<1000xf32>
    %gt3A_4 = arith.cmpf ogt, %reduce_sum3A_2, %gt3A_3 : vector<1000xf32>
    %max3A = arith.constant 9.99999996E-13 : f32
    %max3A_5 = vector.broadcast %max3A : f32 to vector<1000xf32>
    %max3A_6 = arith.maximumf %reduce_sum3A_2, %max3A_5 : vector<1000xf32>
    %rsqrt3A = math.rsqrt %max3A_6 : vector<1000xf32>
    %jit3A = arith.constant 0.000000e+00 : f32
    %broadcast_in_dim3A = vector.broadcast %jit3A : f32 to vector<1000xf32>
    %select_n3A = arith.select %gt3A_4, %rsqrt3A, %broadcast_in_dim3A : vector<1000xi1>, vector<1000xf32>
    %get3A_7 = arith.constant 0 : index
    %get3A_8 = arith.constant 0 : index
    %get3A_9 = vector.load %arg1[%get3A_7, %get3A_8] : memref<1000x128xf32, #tpu.memory_space<vmem>>, vector<1000x128xf32>
    %get3A_10 = arith.constant 0 : index
    %get3A_11 = arith.constant 0 : index
    %get3A_12 = vector.load %arg2[%get3A_10, %get3A_11] : memref<128x128xf32, #tpu.memory_space<vmem>>, vector<128x128xf32>
    %dot_general3A = arith.constant dense<0.000000e+00> : vector<1000x128xf32>
    %dot_general3A_13 = tpu.matmul %get3A_9, %get3A_12, %dot_general3A {dimension_numbers = #tpu.dot_dimension_numbers<[1], [0], [0], [1], [0, 0, 1, 1], [], []>, transpose_lhs_hint = false} : vector<1000x128xf32>, vector<128x128xf32>, vector<1000x128xf32> -> vector<1000x128xf32>
    %broadcast_in_dim3A_14 = vector.shape_cast %select_n3A : vector<1000xf32> to vector<1000x1xf32>
    %mul3A = vector.broadcast %broadcast_in_dim3A_14 : vector<1000x1xf32> to vector<1000x128xf32>
    %mul3A_15 = arith.mulf %dot_general3A_13, %mul3A : vector<1000x128xf32>
    %swap3A = arith.constant 0 : index
    %swap3A_16 = arith.constant 0 : index
    %swap3A_17 = vector.load %arg4[%swap3A, %swap3A_16] : memref<1000x128xf32, #tpu.memory_space<vmem>>, vector<1000x128xf32>
    tpu.vector_store %arg4[%swap3A, %swap3A_16], %mul3A_15 {strides = array<i32>} : memref<1000x128xf32, #tpu.memory_space<vmem>>, vector<1000x128xf32>,
    %broadcast_in_dim3A_18 = vector.shape_cast %select_n3A : vector<1000xf32> to vector<1000x1xf32>
    %swap3A_19 = arith.constant 0 : index
    %swap3A_20 = arith.constant 0 : index
    %swap3A_21 = vector.load %arg5[%swap3A_19, %swap3A_20] : memref<1000x1xf32, #tpu.memory_space<vmem>>, vector<1000x1xf32>
    tpu.vector_store %arg5[%swap3A_19, %swap3A_20], %broadcast_in_dim3A_18 {strides = array<i32>} : memref<1000x1xf32, #tpu.memory_space<vmem>>, vector<1000x1xf32>,
    return
  }
  func.func @transform_0(%arg0: i32) -> (i32, i32) {
    %c0_i32 = arith.constant 0 : i32
    %c0_i32_0 = arith.constant 0 : i32
    return %arg0, %c0_i32 : i32, i32
  }
  func.func @transform_1(%arg0: i32) -> (i32, i32) {
    %c0_i32 = arith.constant 0 : i32
    %c0_i32_0 = arith.constant 0 : i32
    %c0_i32_1 = arith.constant 0 : i32
    return %c0_i32, %c0_i32_0 : i32, i32
  }
  func.func @transform_2(%arg0: i32) -> (i32, i32) {
    %c0_i32 = arith.constant 0 : i32
    %c0_i32_0 = arith.constant 0 : i32
    return %arg0, %c0_i32 : i32, i32
  }
  func.func @transform_3(%arg0: i32) -> (i32, i32) {
    %c0_i32 = arith.constant 0 : i32
    %c0_i32_0 = arith.constant 0 : i32
    return %arg0, %c0_i32 : i32, i32
  }
  func.func @transform_4(%arg0: i32) -> (i32, i32) {
    %c0_i32 = arith.constant 0 : i32
    %c0_i32_0 = arith.constant 0 : i32
    return %arg0, %c0_i32 : i32, i32
  }
}

module attributes {stable_mosaic.version = 14 : i64} {
  func.func @_final_body(%arg0: i32, %arg1: memref<1000x128xf32, #tpu.memory_space<vmem>>, %arg2: memref<1000x128xf32, #tpu.memory_space<vmem>>, %arg3: memref<1000x1xf32, #tpu.memory_space<vmem>>, %arg4: memref<1x128xf32, #tpu.memory_space<vmem>>, %arg5: memref<1x128xf32, #tpu.memory_space<vmem>>, %arg6: memref<1x1xf32, #tpu.memory_space<vmem>>, %arg7: memref<1000x1xf32, #tpu.memory_space<vmem>>) attributes {dimension_semantics = [#tpu.dimension_semantics<arbitrary>], iteration_bounds = array<i64: 10>, scalar_prefetch = 0 : i64, scratch_operands = 0 : i64, tpu.core_type = #tpu.core_type<tc>, window_params = [{transform_indices = @transform_0, window_bounds = array<i64: 1000, 128>}, {transform_indices = @transform_1, window_bounds = array<i64: 1000, 128>}, {transform_indices = @transform_2, window_bounds = array<i64: 1000, 1>}, {pipeline_mode = #tpu.pipeline_mode<synchronous>, transform_indices = @transform_3, window_bounds = array<i64: 1, 128>}, {pipeline_mode = #tpu.pipeline_mode<synchronous>, transform_indices = @transform_4, window_bounds = array<i64: 1, 128>}, {pipeline_mode = #tpu.pipeline_mode<synchronous>, transform_indices = @transform_5, window_bounds = array<i64: 1, 1>}, {transform_indices = @transform_6, window_bounds = array<i64: 1000, 1>}]} {
    %get3A = arith.constant 0 : index
    %get3A_0 = arith.constant 0 : index
    %get3A_1 = vector.load %arg1[%get3A, %get3A_0] : memref<1000x128xf32, #tpu.memory_space<vmem>>, vector<1000x128xf32>
    %get3A_2 = arith.constant 0 : index
    %get3A_3 = arith.constant 0 : index
    %get3A_4 = vector.load %arg2[%get3A_2, %get3A_3] : memref<1000x128xf32, #tpu.memory_space<vmem>>, vector<1000x128xf32>
    %add3A = arith.addf %get3A_1, %get3A_4 : vector<1000x128xf32>
    %get3A_5 = arith.constant 0 : index
    %get3A_6 = arith.constant 0 : index
    %get3A_7 = vector.load %arg3[%get3A_5, %get3A_6] : memref<1000x1xf32, #tpu.memory_space<vmem>>, vector<1000x1xf32>
    %mul3A = vector.broadcast %get3A_7 : vector<1000x1xf32> to vector<1000x128xf32>
    %mul3A_8 = arith.mulf %add3A, %mul3A : vector<1000x128xf32>
    %get3A_9 = arith.constant 0 : index
    %get3A_10 = arith.constant 0 : index
    %get3A_11 = vector.load %arg4[%get3A_9, %get3A_10] : memref<1x128xf32, #tpu.memory_space<vmem>>, vector<1x128xf32>
    %add3A_12 = vector.broadcast %get3A_11 : vector<1x128xf32> to vector<1000x128xf32>
    %add3A_13 = arith.addf %mul3A_8, %add3A_12 : vector<1000x128xf32>
    %max3A = arith.constant 0.000000e+00 : f32
    %max3A_14 = vector.broadcast %max3A : f32 to vector<1000x128xf32>
    %max3A_15 = arith.maximumf %add3A_13, %max3A_14 : vector<1000x128xf32>
    %get3A_16 = arith.constant 0 : index
    %get3A_17 = arith.constant 0 : index
    %get3A_18 = vector.load %arg5[%get3A_16, %get3A_17] : memref<1x128xf32, #tpu.memory_space<vmem>>, vector<1x128xf32>
    %mul3A_19 = vector.broadcast %get3A_18 : vector<1x128xf32> to vector<1000x128xf32>
    %mul3A_20 = arith.mulf %max3A_15, %mul3A_19 : vector<1000x128xf32>
    %reduce_sum3A = arith.constant dense<0.000000e+00> : vector<1000xf32>
    %reduce_sum3A_21 = vector.multi_reduction <add>, %mul3A_20, %reduce_sum3A [1] : vector<1000x128xf32> to vector<1000xf32>
    %broadcast_in_dim3A = vector.shape_cast %reduce_sum3A_21 : vector<1000xf32> to vector<1000x1xf32>
    %get3A_22 = arith.constant 0 : index
    %get3A_23 = arith.constant 0 : index
    %get3A_24 = vector.load %arg6[%get3A_22, %get3A_23] : memref<1x1xf32, #tpu.memory_space<vmem>>, vector<1x1xf32>
    %get3A_25 = vector.extract %get3A_24[0, 0] : f32 from vector<1x1xf32>
    %add3A_26 = vector.broadcast %get3A_25 : f32 to vector<1000x1xf32>
    %add3A_27 = arith.addf %broadcast_in_dim3A, %add3A_26 : vector<1000x1xf32>
    %swap3A = arith.constant 0 : index
    %swap3A_28 = arith.constant 0 : index
    %swap3A_29 = vector.load %arg7[%swap3A, %swap3A_28] : memref<1000x1xf32, #tpu.memory_space<vmem>>, vector<1000x1xf32>
    tpu.vector_store %arg7[%swap3A, %swap3A_28], %add3A_27 {strides = array<i32>} : memref<1000x1xf32, #tpu.memory_space<vmem>>, vector<1000x1xf32>,
    return
  }
  func.func @transform_0(%arg0: i32) -> (i32, i32) {
    %c0_i32 = arith.constant 0 : i32
    %c0_i32_0 = arith.constant 0 : i32
    return %arg0, %c0_i32 : i32, i32
  }
  func.func @transform_1(%arg0: i32) -> (i32, i32) {
    %c0_i32 = arith.constant 0 : i32
    %c0_i32_0 = arith.constant 0 : i32
    return %arg0, %c0_i32 : i32, i32
  }
  func.func @transform_2(%arg0: i32) -> (i32, i32) {
    %c0_i32 = arith.constant 0 : i32
    %c0_i32_0 = arith.constant 0 : i32
    return %arg0, %c0_i32 : i32, i32
  }
  func.func @transform_3(%arg0: i32) -> (i32, i32) {
    %c0_i32 = arith.constant 0 : i32
    %c0_i32_0 = arith.constant 0 : i32
    %c0_i32_1 = arith.constant 0 : i32
    return %c0_i32, %c0_i32_0 : i32, i32
  }
  func.func @transform_4(%arg0: i32) -> (i32, i32) {
    %c0_i32 = arith.constant 0 : i32
    %c0_i32_0 = arith.constant 0 : i32
    %c0_i32_1 = arith.constant 0 : i32
    return %c0_i32, %c0_i32_0 : i32, i32
  }
  func.func @transform_5(%arg0: i32) -> (i32, i32) {
    %c0_i32 = arith.constant 0 : i32
    %c0_i32_0 = arith.constant 0 : i32
    %c0_i32_1 = arith.constant 0 : i32
    return %c0_i32, %c0_i32_0 : i32, i32
  }
  func.func @transform_6(%arg0: i32) -> (i32, i32) {
    %c0_i32 = arith.constant 0 : i32
    %c0_i32_0 = arith.constant 0 : i32
    return %arg0, %c0_i32 : i32, i32
  }
}

</mosaic_0001>

<sc_bundles>
// kernel: kernel.6.cloned.1.call-start
scs
__scs_entry_jumppad:
0x0: {  	(pc) =	sbr.rel $0x88, $3  }
0x1: {  	(tag) =	ssettag $0x0;
	lr =	simm.s32 $0x1  }
0x2: {  	[smem:$0x3F9B] =	sst lr;
	_ =	strace $0xD0000000  }
0x3: {  	_ = 	snop  }
0x4: {  	_ = 	snop  }
0x5: {  	_ = 	snop  }
0x6: {  	_ = 	snop  }
0x7: {  	_ = 	snop  }
__scs_overlays_trampoline_lowered:
0x8: {  	[smem:$0x3FAA] =	sst s0  }
0x9: {  	[smem:$0x3FAB] =	sst s1  }
0xa: {  	[smem:$0x3FAC] =	sst s2  }
0xb: {  	[smem:$0x3FAD] =	sst s3  }
0xc: {  	[smem:$0x3FAE] =	sst s4  }
0xd: {  	[smem:$0x3FAF] =	sst s5  }
0xe: {  	[smem:$0x3FB0] =	sst s6  }
0xf: {  	[smem:$0x3FB1] =	sst s7  }
0x10: {  	[smem:$0x3FB2] =	sst s8  }
0x11: {  	[smem:$0x3FB3] =	sst s9;
	s0 =	simm.s32 @!p0 $0x0  }
0x12: {  	s1 =	sld [smem:$0x3F99];
	s0 =	simm.s32 @p0 $0x1  }
0x13: {  	[smem:$0x3FB4] =	sst s0;
	s0 =	simm.s32 @!p1 $0x0  }
0x14: {  	s2 =	sld [smem:$0x3F98];
	s0 =	simm.s32 @p1 $0x1  }
0x15: {  	[smem:$0x3FB5] =	sst s0;
	s0 =	simm.s32 @!p2 $0x0  }
0x16: {  	s3 =	sld [smem:$0x3FDB];
	s0 =	simm.s32 @p2 $0x1  }
0x17: {  	s4 =	simm.s32 $0x1BF5;
	[smem:$0x3FB7] =	sst s0  }
0x18: {  	s0 =	sld [smem:$0x3F9A];
	_ =	swait.ge [sflag:s4], $0x0  }
0x19: {  	s7 =	sld [smem:$0x3F9B]  }
0x1a: {  	s8 =	sadd.s32 $0xFFFFE003, lr  }
0x1b: {  	s9 =	sadd.s32 $0xFFFFFEF7, lr;
	s5 =	simm.s32 $0xFFFFFFFF;
	p2 =	slt.u32 s8, $0xFFFFF086  }
0x1c: {  	p1 =	slt.u32 s9, $0xF7A;
	s5 =	simm.s32 @!p2 $0x0  }
0x1d: {  	s5 =	simm.s32 @p1 $0x1;
	p0 =	seq.s32 s7, s2  }
0x1e: {  	s7 =	smul.u32 @!p0 $0xF7A, s2;
	p2 =	seq.s32 @!p0 s5, $0x0  }
0x1f: {  	s9 =	smul.u32 $0xF7A, s1;
	s8 =	simm.s32 @!p0 $0x1BF5;
	p2 =	por !p2, p0  }
0x20: {  	[sflag:s8] =	ssyncset.s32 @!p0 $0xFFFFF086;
	s6 =	sadd.s32 @!p0 s3, s7;
	s7 =	simm.s32 @!p0 $0x108  }
0x21: {  	s3 =	sadd.s32 s3, s9;
	s6 =	sadd.s32 @!p0 $0x88, s6;
	s7 =	simm.s32 @p2 $0x1082  }
0x22: {  	[simem:s7], [sflag:s8] =	dma.local @!p0 [hbm:s6], $0xF7A  }
0x23: {  	s9 =	sor.u32 $0xD0000000, s2;
	s6 =	simm.s32 $0x108;
	_ =	swait.ge @!p0 [sflag:s8], $0x0  }
0x24: {  	s3 =	sadd.s32 $0x88, s3;
	s6 =	simm.s32 @!p1 $0x1082;
	[sflag:s4] =	ssyncset.s32 $0xFFFFF086  }
0x25: {  	[simem:s6], [sflag:s4] =	dma.local [hbm:s3], $0xF7A  }
0x26: {  	[smem:$0x3F9B] =	sst s1;
	(tag) =	ssettag s2;
	_ =	strace s9  }
0x27: {  	s1 =	sld [smem:$0x3FAB]  }
0x28: {  	s2 =	sld [smem:$0x3FAC]  }
0x29: {  	s4 =	sld [smem:$0x3FAE]  }
0x2a: {  	p0 =	seq.s32 s5, $0x0;
	s5 =	sld [smem:$0x3FAF]  }
0x2b: {  	s6 =	sld [smem:$0x3FB0]  }
0x2c: {  	s7 =	sld [smem:$0x3FB1]  }
0x2d: {  	s3 =	simm.s32 $0x108;
	s8 =	sld [smem:$0x3FB2]  }
0x2e: {  	s3 =	simm.s32 @!p0 $0x1082;
	s9 =	sld [smem:$0x3FB3]  }
0x2f: {  	lr =	sadd.s32 s0, s3;
	s0 =	sld [smem:$0x3FAA]  }
0x30: {  	s3 =	sld [smem:$0x3FAD]  }
0x31: {  	[smem:$0x3FB6] =	sst s10  }
0x32: {  	s10 =	sld [smem:$0x3FB4];
	_ =	sdelay $0x3  }
0x33: {  	p0 =	seq.s32 s10, $0x1;
	s10 =	sld [smem:$0x3FB6];
	_ =	sdelay $0x3  }
0x34: {  	[smem:$0x3FB6] =	sst s10  }
0x35: {  	s10 =	sld [smem:$0x3FB5];
	_ =	sdelay $0x3  }
0x36: {  	p1 =	seq.s32 s10, $0x1;
	s10 =	sld [smem:$0x3FB6];
	_ =	sdelay $0x3  }
0x37: {  	[smem:$0x3FB6] =	sst s10  }
0x38: {  	s10 =	sld [smem:$0x3FB7]  }
0x39: {  	_ = 	snop;
	(pc) =	sbr.ind lr, $3  }
0x3a: {  	_ = 	snop  }
0x3b: {  	_ = 	snop  }
0x3c: {  	p2 =	seq.s32 s10, $0x1;
	s10 =	sld [smem:$0x3FB6]  }
0x3d: {  	_ =	shalt  }
0x3e: {  	_ =	shalt  }
0x3f: {  	_ =	shalt  }
0x40: {  	_ =	shalt  }
0x41: {  	_ =	shalt  }
0x42: {  	_ =	shalt  }
0x43: {  	_ =	shalt  }
0x44: {  	_ =	shalt  }
0x45: {  	_ =	shalt  }
0x46: {  	_ =	shalt  }
0x47: {  	_ =	shalt  }
0x48: {  	_ =	shalt  }
0x49: {  	_ =	shalt  }
0x4a: {  	_ =	shalt  }
0x4b: {  	_ =	shalt  }
0x4c: {  	_ =	shalt  }
0x4d: {  	_ =	shalt  }
0x4e: {  	_ =	shalt  }
0x4f: {  	_ =	shalt  }
0x50: {  	_ =	shalt  }
0x51: {  	_ =	shalt  }
0x52: {  	_ =	shalt  }
0x53: {  	_ =	shalt  }
0x54: {  	_ =	shalt  }
0x55: {  	_ =	shalt  }
0x56: {  	_ =	shalt  }
0x57: {  	_ =	shalt  }
0x58: {  	_ =	shalt  }
0x59: {  	_ =	shalt  }
0x5a: {  	_ =	shalt  }
0x5b: {  	_ =	shalt  }
0x5c: {  	_ =	shalt  }
0x5d: {  	_ =	shalt  }
0x5e: {  	_ =	shalt  }
0x5f: {  	_ =	shalt  }
0x60: {  	_ =	shalt  }
0x61: {  	_ =	shalt  }
0x62: {  	_ =	shalt  }
0x63: {  	_ =	shalt  }
0x64: {  	_ =	shalt  }
0x65: {  	_ =	shalt  }
0x66: {  	_ =	shalt  }
0x67: {  	_ =	shalt  }
0x68: {  	_ =	shalt  }
0x69: {  	_ =	shalt  }
0x6a: {  	_ =	shalt  }
0x6b: {  	_ =	shalt  }
0x6c: {  	_ =	shalt  }
0x6d: {  	_ =	shalt  }
0x6e: {  	_ =	shalt  }
0x6f: {  	_ =	shalt  }
0x70: {  	_ =	shalt  }
0x71: {  	_ =	shalt  }
0x72: {  	_ =	shalt  }
0x73: {  	_ =	shalt  }
0x74: {  	_ =	shalt  }
0x75: {  	_ =	shalt  }
0x76: {  	_ =	shalt  }
0x77: {  	_ =	shalt  }
0x78: {  	_ =	shalt  }
0x79: {  	_ =	shalt  }
0x7a: {  	_ =	shalt  }
0x7b: {  	_ =	shalt  }
0x7c: {  	_ =	shalt  }
0x7d: {  	_ =	shalt  }
0x7e: {  	_ =	shalt  }
0x7f: {  	_ =	shalt  }
0x80: {  	_ =	shalt  }
0x81: {  	_ =	shalt  }
0x82: {  	_ =	shalt  }
0x83: {  	_ =	shalt  }
0x84: {  	_ =	shalt  }
0x85: {  	_ =	shalt  }
0x86: {  	_ =	shalt  }
0x87: {  	_ =	shalt  }
.Lfunc_end0:
.L_simem_size_0:
called_computation_lowered:
.L_overlay_start_0:
0x88: {  	s2 =	sld [smem:$0x3FD9]  }
0x89: {  	s3 =	sld [smem:$0x3FFE];
	_ =	sdelay $0x1  }
0x8a: {  	s1 =	srdreg.scid  }
0x8b: {  	s0 =	sand.u32 $0x1, s1  }
0x8c: {  	s16 =	sshll.u32 s0, $0xA;
	s2 =	sadd.s32 s3, s2  }
0x8d: {  	s2 =	sadd.s32 s2, s16  }
0x8e: {  	[smem:$0x3FC2] =	sst s2  }
0x8f: {  	_ = 	snop  }
0x90: {  	(tm) =	ssettm $0x1  }
0x91: {  	s17 =	sld [smem:$0x3FFB];
	_ =	sdelay $0x3  }
0x92: {  	_ =	strace s17  }
0x93: {  	s2 =	sld [smem:$0x3FFC];
	_ =	sdelay $0x3  }
0x94: {  	_ =	strace s2  }
0x95: {  	s2 =	sld [smem:$0x3FFD];
	_ =	sdelay $0x3  }
0x96: {  	_ =	strace s2  }
0x97: {  	_ =	strace $0x8FFFFFFF  }
0x98: {  	s18 =	sld [smem:$0x3FDB];
	_ =	sdelay $0x1  }
0x99: {  	s19 =	simm.s32 $_scs_section_size  }
0x9a: {  	s4 =	simm.s32 $_size__tile_overlayer_lowered;
	s5 =	simm.s32 $_tile_overlayer_lowered  }
0x9b: {  	s22 =	simm.s32 $0x1BFF;
	s21 =	sshll.u32 s5, $0x1;
	s2 =	sadd.s32 s19, s18  }
0x9c: {  	s6 =	simm.s32 $0x0;
	s20 =	sshll.u32 s4, $0x1;
	s4 =	sadd.s32 s21, s2  }
0x9d: {  	[timem:s6], [sflag:s22] =	dma.local [hbm:s4], s20  }
0x9e: {  	_ =	swait.ge [sflag:s22], s20  }
0x9f: {  	s3 =	ssub.s32 $0x0, s20;
	[sflag:s22] =	ssyncset.done $0x0  }
0xa0: {  	[sflag:s22] =	ssyncadd.s32 s3;
	_ =	sdelay $0x1  }
0xa1: {  	s23 =	simm.s32 $0x1B8B  }
0xa2: {  	_ =	swait.ge [sflag:s23], $0x1  }
0xa3: {  	[sflag:s23] =	ssyncset.done $0x0  }
0xa4: {  	s25 =	simm.s32 $0x1B8E;
	s24 =	sld [smem:$0x3FFE];
	[sflag:s23] =	ssyncadd.s32 $0xFFFFFFFF  }
0xa5: {  	s26 =	simm.s32 $execute0_lowered;
	[smem:$0x3FD2] =	sst s25  }
0xa6: {  	s4 =	sshll.u32 s26, $0x1;
	_ =	strace $0x80000046;
	[dreg:$0x1] =	wrdreg $0xFFFFFFFF  }
0xa7: {  	s28 =	simm.s32 $_size_execute0_lowered;
	s2 =	sadd.s32 s2, s4;
	[dreg:$0x0] =	wrdreg $0x0  }
0xa8: {  	s4 =	sshll.u32 s28, $0x1;
	[dreg:$0x2] =	wrdreg s2  }
0xa9: {  	[dreg:$0x3] =	wrdreg s4  }
0xaa: {  	[dreg:$0x4] =	wrdreg $0xC0  }
0xab: {  	_ =	task [dreg:s6], $0x5FFFF  }
0xac: {  	[dreg:$0x1] =	wrdreg $0xFFFFFFFF  }
0xad: {  	[dreg:$0x0] =	wrdreg $0x60  }
0xae: {  	[dreg:$0x2] =	wrdreg s24  }
0xaf: {  	[dreg:$0x3] =	wrdreg $0x9  }
0xb0: {  	_ =	task.clear_ibuf [dreg:s6], $0x4FFFF;
	_ =	strace $0x90000046  }
0xb1: {  	s29 =	simm.s32 $0x9;
	_ =	strace $0x80000048  }
0xb2: {  	_ =	swait.ge [sflag:s29], $0x1  }
0xb3: {  	[sflag:s29] =	ssyncadd.s32 $0xFFFFFFFF  }
0xb4: {  	_ =	strace $0x90000048  }
0xb5: {  	_ =	sfence  }
0xb6: {  	s30 =	sld [smem:$0x0];
	_ =	sdelay $0x2  }
0xb7: {  	s31 =	sshll.u32 s1, $0xD;
	s1 =	sshrl.u32 s1, $0x2  }
0xb8: {  	s3 =	sand.u32 $0x4000, s31;
	s1 =	sadd.s32 s1, s30  }
0xb9: {  	s0 =	sor.u32 s3, s0;
	s1 =	sshll.u32 s1, $0x11  }
0xba: {  	s0 =	sor.u32 s1, s0  }
0xbb: {  	s0 =	sadd.s32 $0x8F2B, s0  }
0xbc: {  	[sflag:s0] =	ssyncadd.remote.s32 $0x1  }
0xbd: {  	_ =	sfence.sel $0xFFFF  }
0xbe: {  	[dreg:$0x0] =	wrdreg $0xFFFFFFFF;
	(pc) =	sbr.abs _section_cstart, $3  }
0xbf: {  	[dreg:$0x1] =	wrdreg $0xFFFFFFFF  }
0xc0: {  	_ =	task.clear_ibuf [dreg:s6], $0x2FFFF;
	_ =	strace $0x9FFFFFFF  }
0xc1: {  	(tm) =	ssettm $0x7FFFFFFF  }
tec
execute0_lowered:
.L_overlay_start_1:
0x0: {  	(tag) =	ssettag $0x1  }
0x1: {  	s1 =	srdreg.scid;
	s0 =	stileid.u32  }
0x2: {  	s4 =	sand.u32 $0x1, s1;
	s2 =	sshll.u32 s0, $0x1  }
0x3: {  	s3 =	rddreg [dreg:$0x0];
	s5 =	sor.u32 s4, s2  }
0x4: {  	s7 =	simm.s32 $0x2780;
	s8 =	simm.s32 $0x0;
	s5 =	smul.u32 $0x4E2, s5  }
0x5: {  	s1 =	rddreg [dreg:$0x1];
	s2 =	simm.s32 $0x0;
	s4 =	ssub.s32 $0x2, s4  }
0x6: {  	[smem:$0x7FF] =	sst s2;
	s6 =	sshrl.u32 s4, $0x1;
	s5 =	sadd.s32 s5, s3  }
0x7: {  	_ =	strace $0x80000047;
	s6 =	ssub.s32 s4, s6;
	s3 =	sadd.s32 $0xB400, s5  }
0x8: {  	v0 =	vimm.f32 $0.0e+00;
	v1 =	vimm.f32 $1.000000000e+00;
	s4 =	sadd.s32 $0x15200, s5;
	s5 =	smax.u32 s6, $0x1;
	s6 =	simm.s32 $0x1  }
.LBB2_1:
0x9: {  	s9 =	simm.s32 $0x40;
	s10 =	simm.s32 $0x0  }
.LBB2_2:
0xa: {  	p0 =	sne.s32 s9, $0x9C00;
	[tilespmem:s10+$0x2780] =	vst v0;
	s10 =	smov.u32 s9;
	s9 =	sadd.s32 $0x40, s9  }
.Ltmp0:
0xb: {  	(pc) =	sbr.rel @p0 .LBB2_2-.Ltmp0, $2  }
0xc: {  	_ =	sdelay $0x2  }
0xd: {  	s10 =	sshra.s32 s10, $0x2  }
0xe: {  	[tilespmem:s10+$0x2780] =	vst v0;
	s9 =	simm.s32 $0x0  }
0xf: {  	[tilespmem:s9], [sflag:$0x1] =	stream.linear.gather [hbm4b:s3+s9], $0x2710, $0x38;
	[tilespmem:$0x4F00] =	vst v63  }
0x10: {  	_ =	swait.ge [sflag:s6], $0x2710  }
0x11: {  	[sflag:s6] =	ssyncset.done $0x0  }
0x12: {  	s10 =	simm.s32 $0x0;
	s9 =	simm.s32 $0x40;
	[sflag:s6] =	ssyncadd.s32 $0xFFFFD8F0  }
.LBB2_4:
0x13: {  	p0 =	sne.s32 s9, $0x9C00;
	v2 =	vld [tilespmem:s10+$0x0];
	_ =	sdelay $0x3  }
.Ltmp1:
0x14: {  	(pc) =	sbr.rel @p0 .LBB2_4-.Ltmp1, $2  }
0x15: {  	_ =	sdelay $0x2  }
0x16: {  	s10 =	sshra.s32 s9, $0x2;
	s9 =	sadd.s32 $0x40, s9;
	[tilespmem:v2+s7+$0x0] =	vst.idx.add.f32.msk $0xffff, v1  }
0x17: {  	v2 =	vld [tilespmem:s10+$0x0];
	_ =	sdelay $0x5  }
0x18: {  	s8 =	sadd.s32 $0x1, s8  }
0x19: {  	p0 =	sne.s32 s8, s5  }
.Ltmp2:
0x1a: {  	[tilespmem:v2+s7+$0x0] =	vst.idx.add.f32.msk $0xffff, v1;
	(pc) =	sbr.rel @p0 .LBB2_1-.Ltmp2, $4  }
0x1b: {  	[hbm4b:s4+s2] =	stream.linear.scatter [tilespmem:s7], [sflag:$0x1], $0x2710, $0x38;
	[tilespmem:$0x4F00] =	vst v63  }
0x1c: {  	_ =	swait.ge [sflag:s6], $0x2710  }
0x1d: {  	[sflag:s6] =	ssyncset.done $0x0  }
0x1e: {  	[sflag:s6] =	ssyncadd.s32 $0xFFFFD8F0  }
0x1f: {  	_ =	sfence.sel $0x180000  }
0x20: {  	[bflag:$0x0] =	sbarrier.arrive $0xFFFF  }
0x21: {  	p0 =	sne.s32 s0, $0x0;
	_ =	strace $0x90000047  }
0x22: {  	s0 =	sadd.s32 @!p0 $0x100000, s1;
	[bflag:$0x2] =	sbarrier.arrive $0xFFFF  }
0x23: {  	[sflag:s0] =	ssyncadd.tile.s32 @!p0 $0x1;
	_ =	shalt  }
.Lfunc_end2:
_tile_overlayer_lowered:
.L_overlay_start_2:
0x24: {  	(tag) =	ssettag $0x2  }
0x25: {  	s0 =	rddreg [dreg:$0x0];
	s2 =	stileid.u32  }
0x26: {  	s1 =	rddreg [dreg:$0x1];
	p0 =	sne.s32 s2, $0x0  }
0x27: {  	s3 =	rddreg [dreg:$0x2];
	[bflag:$0x3] =	sbarrier.arrive $0xFFFF;
	s2 =	simm.s32 @!p0 $0x1C01  }
0x28: {  	[timem:s3], [sflag:s2] =	dma.local @!p0 [hbm:s0], s1  }
0x29: {  	s0 =	simm.s32 @!p0 $0x1  }
0x2a: {  	_ =	swait.ge @!p0 [sflag:s0], s1  }
0x2b: {  	s1 =	ssub.s32 @!p0 $0x0, s1;
	[sflag:s0] =	ssyncset.done @!p0 $0x0  }
0x2c: {  	[sflag:s0] =	ssyncadd.s32 @!p0 s1  }
0x2d: {  	[bflag:$0x3] =	sbarrier.arrive $0xFFFF  }
0x2e: {  	_ =	shalt  }

// kernel: kernel.9.cloned.1.call-start
scs
__scs_entry_jumppad:
0x0: {  	(pc) =	sbr.rel $0x88, $3  }
0x1: {  	(tag) =	ssettag $0x0;
	lr =	simm.s32 $0x1  }
0x2: {  	[smem:$0x3F9B] =	sst lr;
	_ =	strace $0xD0000000  }
0x3: {  	_ = 	snop  }
0x4: {  	_ = 	snop  }
0x5: {  	_ = 	snop  }
0x6: {  	_ = 	snop  }
0x7: {  	_ = 	snop  }
__scs_overlays_trampoline_lowered:
0x8: {  	[smem:$0x3FAA] =	sst s0  }
0x9: {  	[smem:$0x3FAB] =	sst s1  }
0xa: {  	[smem:$0x3FAC] =	sst s2  }
0xb: {  	[smem:$0x3FAD] =	sst s3  }
0xc: {  	[smem:$0x3FAE] =	sst s4  }
0xd: {  	[smem:$0x3FAF] =	sst s5  }
0xe: {  	[smem:$0x3FB0] =	sst s6  }
0xf: {  	[smem:$0x3FB1] =	sst s7  }
0x10: {  	[smem:$0x3FB2] =	sst s8  }
0x11: {  	[smem:$0x3FB3] =	sst s9;
	s0 =	simm.s32 @!p0 $0x0  }
0x12: {  	s1 =	sld [smem:$0x3F99];
	s0 =	simm.s32 @p0 $0x1  }
0x13: {  	[smem:$0x3FB4] =	sst s0;
	s0 =	simm.s32 @!p1 $0x0  }
0x14: {  	s2 =	sld [smem:$0x3F98];
	s0 =	simm.s32 @p1 $0x1  }
0x15: {  	[smem:$0x3FB5] =	sst s0;
	s0 =	simm.s32 @!p2 $0x0  }
0x16: {  	s3 =	sld [smem:$0x3FDB];
	s0 =	simm.s32 @p2 $0x1  }
0x17: {  	s4 =	simm.s32 $0x1BF5;
	[smem:$0x3FB7] =	sst s0  }
0x18: {  	s0 =	sld [smem:$0x3F9A];
	_ =	swait.ge [sflag:s4], $0x0  }
0x19: {  	s7 =	sld [smem:$0x3F9B]  }
0x1a: {  	s8 =	sadd.s32 $0xFFFFE003, lr  }
0x1b: {  	s9 =	sadd.s32 $0xFFFFFEF7, lr;
	s5 =	simm.s32 $0xFFFFFFFF;
	p2 =	slt.u32 s8, $0xFFFFF086  }
0x1c: {  	p1 =	slt.u32 s9, $0xF7A;
	s5 =	simm.s32 @!p2 $0x0  }
0x1d: {  	s5 =	simm.s32 @p1 $0x1;
	p0 =	seq.s32 s7, s2  }
0x1e: {  	s7 =	smul.u32 @!p0 $0xF7A, s2;
	p2 =	seq.s32 @!p0 s5, $0x0  }
0x1f: {  	s9 =	smul.u32 $0xF7A, s1;
	s8 =	simm.s32 @!p0 $0x1BF5;
	p2 =	por !p2, p0  }
0x20: {  	[sflag:s8] =	ssyncset.s32 @!p0 $0xFFFFF086;
	s6 =	sadd.s32 @!p0 s3, s7;
	s7 =	simm.s32 @!p0 $0x108  }
0x21: {  	s3 =	sadd.s32 s3, s9;
	s6 =	sadd.s32 @!p0 $0x88, s6;
	s7 =	simm.s32 @p2 $0x1082  }
0x22: {  	[simem:s7], [sflag:s8] =	dma.local @!p0 [hbm:s6], $0xF7A  }
0x23: {  	s9 =	sor.u32 $0xD0000000, s2;
	s6 =	simm.s32 $0x108;
	_ =	swait.ge @!p0 [sflag:s8], $0x0  }
0x24: {  	s3 =	sadd.s32 $0x88, s3;
	s6 =	simm.s32 @!p1 $0x1082;
	[sflag:s4] =	ssyncset.s32 $0xFFFFF086  }
0x25: {  	[simem:s6], [sflag:s4] =	dma.local [hbm:s3], $0xF7A  }
0x26: {  	[smem:$0x3F9B] =	sst s1;
	(tag) =	ssettag s2;
	_ =	strace s9  }
0x27: {  	s1 =	sld [smem:$0x3FAB]  }
0x28: {  	s2 =	sld [smem:$0x3FAC]  }
0x29: {  	s4 =	sld [smem:$0x3FAE]  }
0x2a: {  	p0 =	seq.s32 s5, $0x0;
	s5 =	sld [smem:$0x3FAF]  }
0x2b: {  	s6 =	sld [smem:$0x3FB0]  }
0x2c: {  	s7 =	sld [smem:$0x3FB1]  }
0x2d: {  	s3 =	simm.s32 $0x108;
	s8 =	sld [smem:$0x3FB2]  }
0x2e: {  	s3 =	simm.s32 @!p0 $0x1082;
	s9 =	sld [smem:$0x3FB3]  }
0x2f: {  	lr =	sadd.s32 s0, s3;
	s0 =	sld [smem:$0x3FAA]  }
0x30: {  	s3 =	sld [smem:$0x3FAD]  }
0x31: {  	[smem:$0x3FB6] =	sst s10  }
0x32: {  	s10 =	sld [smem:$0x3FB4];
	_ =	sdelay $0x3  }
0x33: {  	p0 =	seq.s32 s10, $0x1;
	s10 =	sld [smem:$0x3FB6];
	_ =	sdelay $0x3  }
0x34: {  	[smem:$0x3FB6] =	sst s10  }
0x35: {  	s10 =	sld [smem:$0x3FB5];
	_ =	sdelay $0x3  }
0x36: {  	p1 =	seq.s32 s10, $0x1;
	s10 =	sld [smem:$0x3FB6];
	_ =	sdelay $0x3  }
0x37: {  	[smem:$0x3FB6] =	sst s10  }
0x38: {  	s10 =	sld [smem:$0x3FB7]  }
0x39: {  	_ = 	snop;
	(pc) =	sbr.ind lr, $3  }
0x3a: {  	_ = 	snop  }
0x3b: {  	_ = 	snop  }
0x3c: {  	p2 =	seq.s32 s10, $0x1;
	s10 =	sld [smem:$0x3FB6]  }
0x3d: {  	_ =	shalt  }
0x3e: {  	_ =	shalt  }
0x3f: {  	_ =	shalt  }
0x40: {  	_ =	shalt  }
0x41: {  	_ =	shalt  }
0x42: {  	_ =	shalt  }
0x43: {  	_ =	shalt  }
0x44: {  	_ =	shalt  }
0x45: {  	_ =	shalt  }
0x46: {  	_ =	shalt  }
0x47: {  	_ =	shalt  }
0x48: {  	_ =	shalt  }
0x49: {  	_ =	shalt  }
0x4a: {  	_ =	shalt  }
0x4b: {  	_ =	shalt  }
0x4c: {  	_ =	shalt  }
0x4d: {  	_ =	shalt  }
0x4e: {  	_ =	shalt  }
0x4f: {  	_ =	shalt  }
0x50: {  	_ =	shalt  }
0x51: {  	_ =	shalt  }
0x52: {  	_ =	shalt  }
0x53: {  	_ =	shalt  }
0x54: {  	_ =	shalt  }
0x55: {  	_ =	shalt  }
0x56: {  	_ =	shalt  }
0x57: {  	_ =	shalt  }
0x58: {  	_ =	shalt  }
0x59: {  	_ =	shalt  }
0x5a: {  	_ =	shalt  }
0x5b: {  	_ =	shalt  }
0x5c: {  	_ =	shalt  }
0x5d: {  	_ =	shalt  }
0x5e: {  	_ =	shalt  }
0x5f: {  	_ =	shalt  }
0x60: {  	_ =	shalt  }
0x61: {  	_ =	shalt  }
0x62: {  	_ =	shalt  }
0x63: {  	_ =	shalt  }
0x64: {  	_ =	shalt  }
0x65: {  	_ =	shalt  }
0x66: {  	_ =	shalt  }
0x67: {  	_ =	shalt  }
0x68: {  	_ =	shalt  }
0x69: {  	_ =	shalt  }
0x6a: {  	_ =	shalt  }
0x6b: {  	_ =	shalt  }
0x6c: {  	_ =	shalt  }
0x6d: {  	_ =	shalt  }
0x6e: {  	_ =	shalt  }
0x6f: {  	_ =	shalt  }
0x70: {  	_ =	shalt  }
0x71: {  	_ =	shalt  }
0x72: {  	_ =	shalt  }
0x73: {  	_ =	shalt  }
0x74: {  	_ =	shalt  }
0x75: {  	_ =	shalt  }
0x76: {  	_ =	shalt  }
0x77: {  	_ =	shalt  }
0x78: {  	_ =	shalt  }
0x79: {  	_ =	shalt  }
0x7a: {  	_ =	shalt  }
0x7b: {  	_ =	shalt  }
0x7c: {  	_ =	shalt  }
0x7d: {  	_ =	shalt  }
0x7e: {  	_ =	shalt  }
0x7f: {  	_ =	shalt  }
0x80: {  	_ =	shalt  }
0x81: {  	_ =	shalt  }
0x82: {  	_ =	shalt  }
0x83: {  	_ =	shalt  }
0x84: {  	_ =	shalt  }
0x85: {  	_ =	shalt  }
0x86: {  	_ =	shalt  }
0x87: {  	_ =	shalt  }
.Lfunc_end0:
.L_simem_size_0:
called_computation.1_lowered:
.L_overlay_start_0:
0x88: {  	s2 =	sld [smem:$0x3FD9]  }
0x89: {  	s3 =	sld [smem:$0x3FFE];
	_ =	sdelay $0x1  }
0x8a: {  	s1 =	srdreg.scid  }
0x8b: {  	s0 =	sand.u32 $0x1, s1  }
0x8c: {  	s16 =	sshll.u32 s0, $0xA;
	s2 =	sadd.s32 s3, s2  }
0x8d: {  	s2 =	sadd.s32 s2, s16  }
0x8e: {  	[smem:$0x3FC2] =	sst s2  }
0x8f: {  	_ = 	snop  }
0x90: {  	(tm) =	ssettm $0x1  }
0x91: {  	s17 =	sld [smem:$0x3FFB];
	_ =	sdelay $0x3  }
0x92: {  	_ =	strace s17  }
0x93: {  	s2 =	sld [smem:$0x3FFC];
	_ =	sdelay $0x3  }
0x94: {  	_ =	strace s2  }
0x95: {  	s2 =	sld [smem:$0x3FFD];
	_ =	sdelay $0x3  }
0x96: {  	_ =	strace s2  }
0x97: {  	_ =	strace $0x8FFFFFFF  }
0x98: {  	s18 =	sld [smem:$0x3FDB];
	_ =	sdelay $0x1  }
0x99: {  	s19 =	simm.s32 $_scs_section_size  }
0x9a: {  	s4 =	simm.s32 $_size__tile_overlayer_lowered;
	s5 =	simm.s32 $_tile_overlayer_lowered  }
0x9b: {  	s22 =	simm.s32 $0x1BFF;
	s21 =	sshll.u32 s5, $0x1;
	s2 =	sadd.s32 s19, s18  }
0x9c: {  	s6 =	simm.s32 $0x0;
	s20 =	sshll.u32 s4, $0x1;
	s4 =	sadd.s32 s21, s2  }
0x9d: {  	[timem:s6], [sflag:s22] =	dma.local [hbm:s4], s20  }
0x9e: {  	_ =	swait.ge [sflag:s22], s20  }
0x9f: {  	s3 =	ssub.s32 $0x0, s20;
	[sflag:s22] =	ssyncset.done $0x0  }
0xa0: {  	[sflag:s22] =	ssyncadd.s32 s3;
	_ =	sdelay $0x1  }
0xa1: {  	s23 =	simm.s32 $0x1B8B  }
0xa2: {  	_ =	swait.ge [sflag:s23], $0x1  }
0xa3: {  	[sflag:s23] =	ssyncset.done $0x0  }
0xa4: {  	s25 =	simm.s32 $0x1B8E;
	s24 =	sld [smem:$0x3FFE];
	[sflag:s23] =	ssyncadd.s32 $0xFFFFFFFF  }
0xa5: {  	s26 =	simm.s32 $execute0_lowered;
	[smem:$0x3FD2] =	sst s25  }
0xa6: {  	s4 =	sshll.u32 s26, $0x1;
	_ =	strace $0x80000049;
	[dreg:$0x1] =	wrdreg $0xFFFFFFFF  }
0xa7: {  	s28 =	simm.s32 $_size_execute0_lowered;
	s2 =	sadd.s32 s2, s4;
	[dreg:$0x0] =	wrdreg $0x0  }
0xa8: {  	s4 =	sshll.u32 s28, $0x1;
	[dreg:$0x2] =	wrdreg s2  }
0xa9: {  	[dreg:$0x3] =	wrdreg s4  }
0xaa: {  	[dreg:$0x4] =	wrdreg $0xC0  }
0xab: {  	_ =	task [dreg:s6], $0x5FFFF  }
0xac: {  	[dreg:$0x1] =	wrdreg $0xFFFFFFFF  }
0xad: {  	[dreg:$0x0] =	wrdreg $0x60  }
0xae: {  	[dreg:$0x2] =	wrdreg s24  }
0xaf: {  	[dreg:$0x3] =	wrdreg $0xA5000  }
0xb0: {  	[dreg:$0x4] =	wrdreg $0x9  }
0xb1: {  	_ =	task.clear_ibuf [dreg:s6], $0x5FFFF;
	_ =	strace $0x90000049  }
0xb2: {  	s29 =	simm.s32 $0x9;
	_ =	strace $0x8000004B  }
0xb3: {  	_ =	swait.ge [sflag:s29], $0x1  }
0xb4: {  	[sflag:s29] =	ssyncadd.s32 $0xFFFFFFFF  }
0xb5: {  	_ =	strace $0x9000004B  }
0xb6: {  	_ =	sfence  }
0xb7: {  	s30 =	sld [smem:$0x0];
	_ =	sdelay $0x2  }
0xb8: {  	s31 =	sshll.u32 s1, $0xD;
	s1 =	sshrl.u32 s1, $0x2  }
0xb9: {  	s3 =	sand.u32 $0x4000, s31;
	s1 =	sadd.s32 s1, s30  }
0xba: {  	s0 =	sor.u32 s3, s0;
	s1 =	sshll.u32 s1, $0x11  }
0xbb: {  	s0 =	sor.u32 s1, s0  }
0xbc: {  	s0 =	sadd.s32 $0x8F2B, s0  }
0xbd: {  	[sflag:s0] =	ssyncadd.remote.s32 $0x1  }
0xbe: {  	_ =	sfence.sel $0xFFFF  }
0xbf: {  	[dreg:$0x0] =	wrdreg $0xFFFFFFFF;
	(pc) =	sbr.abs _section_cstart, $3  }
0xc0: {  	[dreg:$0x1] =	wrdreg $0xFFFFFFFF  }
0xc1: {  	_ =	task.clear_ibuf [dreg:s6], $0x2FFFF;
	_ =	strace $0x9FFFFFFF  }
0xc2: {  	(tm) =	ssettm $0x7FFFFFFF  }
0xc3: {  	_ =	shalt  }
tec
execute0_lowered:
.L_overlay_start_1:
0x0: {  	(tag) =	ssettag $0x1  }
0x1: {  	s0 =	rddreg [dreg:$0x0]  }
0x2: {  	s1 =	rddreg [dreg:$0x1];
	s3 =	simm.s32 $0x0  }
0x3: {  	s2 =	srdreg.scid;
	s11 =	stileid.u32;
	s28 =	simm.s32 $0x7100  }
0x4: {  	s29 =	simm.s32 $0x400;
	s30 =	simm.s32 $0x1;
	s31 =	simm.s32 $0x80  }
0x5: {  	[smem:$0x7FF] =	sst s3;
	s4 =	sadd.s32 $0x3F000, s0;
	s2 =	sand.u32 $0x1, s2  }
0x6: {  	s5 =	sshll.u32 s11, $0x1;
	s6 =	sadd.s32 $0x1F000, s0;
	s24 =	smul.u32 $0x13800, s11  }
0x7: {  	s8 =	sadd.s32 $0x66200, s0;
	s22 =	sadd.s32 $0x138000, s1;
	s25 =	smul.u32 $0x4E000, s11  }
0x8: {  	s15 =	sshll.u32 s11, $0xD;
	p0 =	sne.s32 s11, $0xF;
	s11 =	simm.s32 $0x5  }
0x9: {  	_ =	strace $0x8000004A;
	s7 =	ssub.s32 $0x2, s2;
	s5 =	sor.u32 s2, s5  }
0xa: {  	s23 =	smul.u32 $0x138800, s2;
	s2 =	sshll.u32 s2, $0xC;
	[dreg:$0x4] =	wrdreg s22  }
0xb: {  	s9 =	sshrl.u32 s7, $0x1;
	s10 =	smul.u32 $0x2710, s5;
	s5 =	sshll.u32 s5, $0xC  }
0xc: {  	s18 =	sor.u32 s2, s15;
	s2 =	simm.s32 $0x180;
	s15 =	simm.s32 $0x600  }
0xd: {  	s7 =	ssub.s32 s7, s9;
	s12 =	sadd.s32 s6, s5;
	s5 =	sadd.s32 s24, s23  }
0xe: {  	s14 =	sshrl.u32 s23, $0x3;
	s9 =	simm.s32 $0x8;
	s13 =	sadd.s32 $0x80, s12  }
0xf: {  	[dreg:$0x5] =	wrdreg s12;
	s12 =	sadd.s32 $0xF80, s12;
	s10 =	sshrl.u32 s10, $0x3  }
0x10: {  	s19 =	smax.u32 s7, $0x1;
	s7 =	simm.s32 $0x3;
	[dreg:$0x6] =	wrdreg s13  }
0x11: {  	[dreg:$0x7] =	wrdreg s12;
	s0 =	sadd.s32 s0, s10;
	s12 =	sshrl.u32 s5, $0x3  }
0x12: {  	s13 =	sshrl.u32 s25, $0x2;
	[dreg:$0xd] =	wrdreg s19;
	s26 =	sadd.s32 $0x1AE0, s0  }
0x13: {  	s5 =	sadd.s32 s8, s14;
	s0 =	sadd.s32 $0xB8E0, s0;
	[dreg:$0x8] =	wrdreg s26  }
0x14: {  	s10 =	simm.s32 $0x4;
	s17 =	sadd.s32 $0x27000, s5;
	[dreg:$0x9] =	wrdreg s0  }
0x15: {  	s14 =	simm.s32 $0x6;
	s16 =	sadd.s32 s13, s1;
	[dreg:$0xc] =	wrdreg s17  }
0x16: {  	s19 =	simm.s32 $0x0;
	s0 =	sadd.s32 s8, s12;
	[dreg:$0xb] =	wrdreg s16  }
0x17: {  	s13 =	simm.s32 $0x500;
	s20 =	sadd.s32 $0x3400, s16;
	[dreg:$0xa] =	wrdreg s0  }
0x18: {  	s21 =	sadd.s32 $0x6800, s16;
	s23 =	sadd.s32 $0x9C00, s16;
	[dreg:$0xe] =	wrdreg s20  }
0x19: {  	s25 =	sadd.s32 $0xD000, s16;
	s26 =	sadd.s32 $0x10400, s16;
	[dreg:$0xf] =	wrdreg s21  }
0x1a: {  	s8 =	simm.s32 $0x280;
	s16 =	simm.s32 $0x480;
	[dreg:$0x10] =	wrdreg s23  }
0x1b: {  	s17 =	simm.s32 $0x580;
	s0 =	sadd.s32 s18, s6;
	[dreg:$0x11] =	wrdreg s25  }
0x1c: {  	[dreg:$0x12] =	wrdreg s26;
	s21 =	simm.s32 $0x900;
	s23 =	simm.s32 $0x68  }
0x1d: {  	s25 =	simm.s32 $0x3D00;
	s26 =	simm.s32 $0x200;
	s6 =	simm.s32 $0x680  }
0x1e: {  	s18 =	simm.s32 $0x7;
	s24 =	sadd.s32 $0x180, s0;
	s20 =	sadd.s32 $0x100, s0  }
0x1f: {  	v0 =	vimm.f32 $0.0e+00;
	s0 =	simm.s32 $0x2;
	[dreg:$0x3] =	wrdreg s24;
	s24 =	simm.s32 $0x100  }
.LBB2_1:
0x20: {  	s5 =	sand.u32 $0xFE00, s3  }
0x21: {  	[dreg:$0x13] =	wrdreg s19;
	s12 =	sand.u32 $0x70, s3;
	s22 =	sshrl.u32 s5, $0x2  }
0x22: {  	s5 =	simm.s32 $0x40;
	s19 =	sor.u32 s12, s22;
	s12 =	simm.s32 $0x0  }
.LBB2_2:
0x23: {  	p1 =	sne.s32 s5, $0xCFC0  }
0x24: {  	[tilespmem:s19+$0x900] =	vst v0;
	s12 =	sadd.s32 $0x10, s12;
	s19 =	smov.u32 s5;
	s5 =	sadd.s32 $0x40, s5  }
.Ltmp0:
0x25: {  	(pc) =	sbr.rel @p1 .LBB2_2-.Ltmp0, $4  }
0x26: {  	_ = 	snop  }
0x27: {  	s19 =	sand.u32 $0xFE00, s19  }
0x28: {  	s22 =	sand.u32 $0x70, s12;
	s19 =	sshrl.u32 s19, $0x2  }
0x29: {  	s19 =	sor.u32 s22, s19  }
0x2a: {  	[tilespmem:s19+$0x900] =	vst v0;
	s5 =	rddreg [dreg:$0xb];
	s19 =	simm.s32 $0x9  }
0x2b: {  	[spmem:s5] =	stream.linear.scatter [tilespmem:s21], [sflag:$0x9], $0x3400, $0x38;
	[tilespmem:$0x1DD80] =	vst v63  }
0x2c: {  	_ =	swait.ge [sflag:s19], $0x3400  }
0x2d: {  	[sflag:s19] =	ssyncset.done $0x0  }
0x2e: {  	s12 =	rddreg [dreg:$0xe];
	[sflag:s19] =	ssyncadd.s32 $0xFFFFCC00  }
0x2f: {  	[spmem:s12] =	stream.linear.scatter [tilespmem:s21], [sflag:$0x9], $0x3400, $0x38;
	[tilespmem:$0x1DD80] =	vst v63  }
0x30: {  	_ =	swait.ge [sflag:s19], $0x3400  }
0x31: {  	[sflag:s19] =	ssyncset.done $0x0  }
0x32: {  	s22 =	rddreg [dreg:$0xf];
	[sflag:s19] =	ssyncadd.s32 $0xFFFFCC00  }
0x33: {  	[spmem:s22] =	stream.linear.scatter [tilespmem:s21], [sflag:$0x9], $0x3400, $0x38;
	[tilespmem:$0x1DD80] =	vst v63  }
0x34: {  	_ =	swait.ge [sflag:s19], $0x3400  }
0x35: {  	[sflag:s19] =	ssyncset.done $0x0  }
0x36: {  	s12 =	rddreg [dreg:$0x10];
	[sflag:s19] =	ssyncadd.s32 $0xFFFFCC00  }
0x37: {  	[spmem:s12] =	stream.linear.scatter [tilespmem:s21], [sflag:$0x9], $0x3400, $0x38;
	[tilespmem:$0x1DD80] =	vst v63  }
0x38: {  	_ =	swait.ge [sflag:s19], $0x3400  }
0x39: {  	[sflag:s19] =	ssyncset.done $0x0  }
0x3a: {  	s22 =	rddreg [dreg:$0x11];
	[sflag:s19] =	ssyncadd.s32 $0xFFFFCC00  }
0x3b: {  	[spmem:s22] =	stream.linear.scatter [tilespmem:s21], [sflag:$0x9], $0x3400, $0x38;
	[tilespmem:$0x1DD80] =	vst v63  }
0x3c: {  	_ =	swait.ge [sflag:s19], $0x3400  }
0x3d: {  	[sflag:s19] =	ssyncset.done $0x0  }
0x3e: {  	s12 =	rddreg [dreg:$0x12];
	[sflag:s19] =	ssyncadd.s32 $0xFFFFCC00  }
0x3f: {  	[spmem:s12] =	stream.linear.scatter [tilespmem:s21], [sflag:$0x9], $0x3400, $0x38;
	[tilespmem:$0x1DD80] =	vst v63  }
0x40: {  	_ =	swait.ge [sflag:s19], $0x3400  }
0x41: {  	[sflag:s19] =	ssyncset.done $0x0  }
0x42: {  	s5 =	simm.s32 @!p0 $0x900;
	s12 =	rddreg [dreg:$0x4];
	[sflag:s19] =	ssyncadd.s32 $0xFFFFCC00  }
0x43: {  	[spmem:s12] =	stream.linear.scatter @!p0 [tilespmem:s5], [sflag:$0x9], $0x800, $0x38;
	[tilespmem:$0x1DD80] =	vst v63  }
0x44: {  	s5 =	simm.s32 @!p0 $0x9  }
0x45: {  	_ =	swait.ge @!p0 [sflag:s5], $0x800  }
0x46: {  	[sflag:s5] =	ssyncset.done @!p0 $0x0  }
0x47: {  	[sflag:s5] =	ssyncadd.s32 @!p0 $0xFFFFF800  }
0x48: {  	[bflag:$0x0] =	sbarrier.arrive $0xFFFF  }
0x49: {  	s5 =	simm.s32 $0x0;
	s22 =	rddreg [dreg:$0x5]  }
0x4a: {  	[tilespmem:s5], [sflag:$0x9] =	stream.linear.gather [hbm4b:s22+s5], $0x300, $0x38;
	[tilespmem:$0x1DD80] =	vst v63  }
0x4b: {  	_ =	swait.ge [sflag:s19], $0x300  }
0x4c: {  	[sflag:s19] =	ssyncset.done $0x0  }
0x4d: {  	[sflag:s19] =	ssyncadd.s32 $0xFFFFFD00  }
0x4e: {  	[tilespmem:s21], [sflag:$0x1] =	stream.indirect.gather [hbm4b:s4+s23], $0x80, s5, s23, $0xb8;
	[tilespmem:$0x1DD80] =	vst v63  }
0x4f: {  	_ = 	snop  }
0x50: {  	[tilespmem:s25], [sflag:$0x2] =	stream.indirect.gather [hbm4b:s4+s23], $0x80, s24, s23, $0xb8;
	[tilespmem:$0x1DD80] =	vst v63  }
0x51: {  	_ = 	snop  }
0x52: {  	[tilespmem:s28], [sflag:$0x3] =	stream.indirect.gather [hbm4b:s4+s23], $0x80, s26, s23, $0xb8;
	[tilespmem:$0x1DD80] =	vst v63  }
0x53: {  	s22 =	rddreg [dreg:$0x6]  }
0x54: {  	[tilespmem:s29], [sflag:$0x8] =	stream.linear.gather [hbm4b:s22+s5], $0x300, $0x38;
	[tilespmem:$0x1DD80] =	vst v63  }
0x55: {  	_ =	swait.ge [sflag:s30], $0x3400  }
0x56: {  	[sflag:s30] =	ssyncset.done $0x0  }
0x57: {  	[sflag:s30] =	ssyncadd.s32 $0xFFFFCC00  }
0x58: {  	[spmem:s1] =	stream.indirect.scatter.add.f32 [tilespmem:s21], [sflag:$0x4], $0x80, s31, s23, $0xb8;
	[tilespmem:$0x1DD80] =	vst v63  }
0x59: {  	_ =	swait.ge [sflag:s0], $0x3400  }
0x5a: {  	[sflag:s0] =	ssyncset.done $0x0  }
0x5b: {  	[sflag:s0] =	ssyncadd.s32 $0xFFFFCC00  }
0x5c: {  	[spmem:s1] =	stream.indirect.scatter.add.f32 [tilespmem:s25], [sflag:$0x5], $0x80, s2, s23, $0xb8;
	[tilespmem:$0x1DD80] =	vst v63  }
0x5d: {  	_ =	swait.ge [sflag:s7], $0x3400  }
0x5e: {  	[sflag:s7] =	ssyncset.done $0x0  }
0x5f: {  	[sflag:s7] =	ssyncadd.s32 $0xFFFFCC00  }
0x60: {  	[spmem:s1] =	stream.indirect.scatter.add.f32 [tilespmem:s28], [sflag:$0x6], $0x80, s8, s23, $0xb8;
	[tilespmem:$0x1DD80] =	vst v63  }
0x61: {  	_ =	swait.ge [sflag:s9], $0x300  }
0x62: {  	[sflag:s9] =	ssyncset.done $0x0  }
0x63: {  	[sflag:s9] =	ssyncadd.s32 $0xFFFFFD00  }
0x64: {  	_ =	swait.ge [sflag:s10], $0x3400  }
0x65: {  	[sflag:s10] =	ssyncset.done $0x0  }
0x66: {  	[sflag:s10] =	ssyncadd.s32 $0xFFFFCC00  }
0x67: {  	[tilespmem:s21], [sflag:$0x1] =	stream.indirect.gather [hbm4b:s4+s23], $0x80, s29, s23, $0xb8;
	[tilespmem:$0x1DD80] =	vst v63  }
0x68: {  	_ =	swait.ge [sflag:s11], $0x3400  }
0x69: {  	[sflag:s11] =	ssyncset.done $0x0  }
0x6a: {  	[sflag:s11] =	ssyncadd.s32 $0xFFFFCC00  }
0x6b: {  	[tilespmem:s25], [sflag:$0x2] =	stream.indirect.gather [hbm4b:s4+s23], $0x80, s13, s23, $0xb8;
	[tilespmem:$0x1DD80] =	vst v63  }
0x6c: {  	_ =	swait.ge [sflag:s14], $0x3400  }
0x6d: {  	[sflag:s14] =	ssyncset.done $0x0  }
0x6e: {  	[sflag:s14] =	ssyncadd.s32 $0xFFFFCC00  }
0x6f: {  	[tilespmem:s28], [sflag:$0x3] =	stream.indirect.gather [hbm4b:s4+s23], $0x80, s15, s23, $0xb8;
	[tilespmem:$0x1DD80] =	vst v63  }
0x70: {  	s19 =	sadd.s32 $0x0, s20  }
0x71: {  	[tilespmem:s3], [sflag:$0x7] =	stream.linear.gather [hbm4b:s19+s3], $0x300, $0x38;
	[tilespmem:$0x1DD80] =	vst v63  }
0x72: {  	_ =	swait.ge [sflag:s30], $0x3400  }
0x73: {  	[sflag:s30] =	ssyncset.done $0x0  }
0x74: {  	[sflag:s30] =	ssyncadd.s32 $0xFFFFCC00  }
0x75: {  	[spmem:s1] =	stream.indirect.scatter.add.f32 [tilespmem:s21], [sflag:$0x4], $0x80, s16, s23, $0xb8;
	[tilespmem:$0x1DD80] =	vst v63  }
0x76: {  	_ =	swait.ge [sflag:s0], $0x3400  }
0x77: {  	[sflag:s0] =	ssyncset.done $0x0  }
0x78: {  	[sflag:s0] =	ssyncadd.s32 $0xFFFFCC00  }
0x79: {  	[spmem:s1] =	stream.indirect.scatter.add.f32 [tilespmem:s25], [sflag:$0x5], $0x80, s17, s23, $0xb8;
	[tilespmem:$0x1DD80] =	vst v63  }
0x7a: {  	_ =	swait.ge [sflag:s7], $0x3400  }
0x7b: {  	[sflag:s7] =	ssyncset.done $0x0  }
0x7c: {  	[sflag:s7] =	ssyncadd.s32 $0xFFFFCC00  }
0x7d: {  	[spmem:s1] =	stream.indirect.scatter.add.f32 [tilespmem:s28], [sflag:$0x6], $0x80, s6, s23, $0xb8;
	[tilespmem:$0x1DD80] =	vst v63  }
0x7e: {  	_ =	swait.ge [sflag:s18], $0x300  }
0x7f: {  	[sflag:s18] =	ssyncset.done $0x0  }
0x80: {  	[sflag:s18] =	ssyncadd.s32 $0xFFFFFD00  }
0x81: {  	_ =	swait.ge [sflag:s10], $0x3400  }
0x82: {  	[sflag:s10] =	ssyncset.done $0x0  }
0x83: {  	[sflag:s10] =	ssyncadd.s32 $0xFFFFCC00  }
0x84: {  	[tilespmem:s21], [sflag:$0x1] =	stream.indirect.gather [hbm4b:s4+s23], $0x80, s3, s23, $0xb8;
	[tilespmem:$0x1DD80] =	vst v63  }
0x85: {  	_ =	swait.ge [sflag:s11], $0x3400  }
0x86: {  	[sflag:s11] =	ssyncset.done $0x0  }
0x87: {  	[sflag:s11] =	ssyncadd.s32 $0xFFFFCC00  }
0x88: {  	[tilespmem:s25], [sflag:$0x2] =	stream.indirect.gather [hbm4b:s4+s23], $0x80, s24, s23, $0xb8;
	[tilespmem:$0x1DD80] =	vst v63  }
0x89: {  	_ =	swait.ge [sflag:s14], $0x3400  }
0x8a: {  	[sflag:s14] =	ssyncset.done $0x0;
	s22 =	rddreg [dreg:$0x3]  }
0x8b: {  	s5 =	simm.s32 $0x100;
	[sflag:s14] =	ssyncadd.s32 $0xFFFFCC00;
	s12 =	sadd.s32 $0x0, s22  }
0x8c: {  	[tilespmem:s28], [sflag:$0x3] =	stream.indirect.gather [hbm4b:s4+s23], $0x80, s26, s23, $0xb8;
	[tilespmem:$0x1DD80] =	vst v63  }
.LBB2_4:
0x8d: {  	[tilespmem:s29], [sflag:$0x8] =	stream.linear.gather [hbm4b:s12+s3], $0x300, $0x38;
	[tilespmem:$0x1DD80] =	vst v63  }
0x8e: {  	_ =	swait.ge [sflag:s30], $0x3400  }
0x8f: {  	[sflag:s30] =	ssyncset.done $0x0  }
0x90: {  	[sflag:s30] =	ssyncadd.s32 $0xFFFFCC00  }
0x91: {  	[spmem:s1] =	stream.indirect.scatter.add.f32 [tilespmem:s21], [sflag:$0x4], $0x80, s31, s23, $0xb8;
	[tilespmem:$0x1DD80] =	vst v63  }
0x92: {  	_ =	swait.ge [sflag:s0], $0x3400  }
0x93: {  	[sflag:s0] =	ssyncset.done $0x0  }
0x94: {  	[sflag:s0] =	ssyncadd.s32 $0xFFFFCC00  }
0x95: {  	[spmem:s1] =	stream.indirect.scatter.add.f32 [tilespmem:s25], [sflag:$0x5], $0x80, s2, s23, $0xb8;
	[tilespmem:$0x1DD80] =	vst v63  }
0x96: {  	_ =	swait.ge [sflag:s7], $0x3400  }
0x97: {  	[sflag:s7] =	ssyncset.done $0x0  }
0x98: {  	[sflag:s7] =	ssyncadd.s32 $0xFFFFCC00  }
0x99: {  	[spmem:s1] =	stream.indirect.scatter.add.f32 [tilespmem:s28], [sflag:$0x6], $0x80, s8, s23, $0xb8;
	[tilespmem:$0x1DD80] =	vst v63  }
0x9a: {  	_ =	swait.ge [sflag:s9], $0x300  }
0x9b: {  	[sflag:s9] =	ssyncset.done $0x0  }
0x9c: {  	[sflag:s9] =	ssyncadd.s32 $0xFFFFFD00  }
0x9d: {  	_ =	swait.ge [sflag:s10], $0x3400  }
0x9e: {  	[sflag:s10] =	ssyncset.done $0x0  }
0x9f: {  	[sflag:s10] =	ssyncadd.s32 $0xFFFFCC00  }
0xa0: {  	[tilespmem:s21], [sflag:$0x1] =	stream.indirect.gather [hbm4b:s4+s23], $0x80, s29, s23, $0xb8;
	[tilespmem:$0x1DD80] =	vst v63  }
0xa1: {  	_ =	swait.ge [sflag:s11], $0x3400  }
0xa2: {  	[sflag:s11] =	ssyncset.done $0x0  }
0xa3: {  	[sflag:s11] =	ssyncadd.s32 $0xFFFFCC00  }
0xa4: {  	[tilespmem:s25], [sflag:$0x2] =	stream.indirect.gather [hbm4b:s4+s23], $0x80, s13, s23, $0xb8;
	[tilespmem:$0x1DD80] =	vst v63  }
0xa5: {  	_ =	swait.ge [sflag:s14], $0x3400  }
0xa6: {  	[sflag:s14] =	ssyncset.done $0x0  }
0xa7: {  	s12 =	smov.u32 s5;
	[sflag:s14] =	ssyncadd.s32 $0xFFFFCC00  }
0xa8: {  	[tilespmem:s28], [sflag:$0x3] =	stream.indirect.gather [hbm4b:s4+s23], $0x80, s15, s23, $0xb8;
	[tilespmem:$0x1DD80] =	vst v63  }
0xa9: {  	s19 =	sadd.s32 s12, s20  }
0xaa: {  	[tilespmem:s3], [sflag:$0x7] =	stream.linear.gather [hbm4b:s19+s3], $0x300, $0x38;
	[tilespmem:$0x1DD80] =	vst v63  }
0xab: {  	_ =	swait.ge [sflag:s30], $0x3400  }
0xac: {  	[sflag:s30] =	ssyncset.done $0x0  }
0xad: {  	[sflag:s30] =	ssyncadd.s32 $0xFFFFCC00  }
0xae: {  	[spmem:s1] =	stream.indirect.scatter.add.f32 [tilespmem:s21], [sflag:$0x4], $0x80, s16, s23, $0xb8;
	[tilespmem:$0x1DD80] =	vst v63  }
0xaf: {  	_ =	swait.ge [sflag:s0], $0x3400  }
0xb0: {  	[sflag:s0] =	ssyncset.done $0x0  }
0xb1: {  	[sflag:s0] =	ssyncadd.s32 $0xFFFFCC00  }
0xb2: {  	[spmem:s1] =	stream.indirect.scatter.add.f32 [tilespmem:s25], [sflag:$0x5], $0x80, s17, s23, $0xb8;
	[tilespmem:$0x1DD80] =	vst v63  }
0xb3: {  	_ =	swait.ge [sflag:s7], $0x3400  }
0xb4: {  	[sflag:s7] =	ssyncset.done $0x0  }
0xb5: {  	[sflag:s7] =	ssyncadd.s32 $0xFFFFCC00  }
0xb6: {  	[spmem:s1] =	stream.indirect.scatter.add.f32 [tilespmem:s28], [sflag:$0x6], $0x80, s6, s23, $0xb8;
	[tilespmem:$0x1DD80] =	vst v63  }
0xb7: {  	_ =	swait.ge [sflag:s18], $0x300  }
0xb8: {  	[sflag:s18] =	ssyncset.done $0x0  }
0xb9: {  	[sflag:s18] =	ssyncadd.s32 $0xFFFFFD00  }
0xba: {  	_ =	swait.ge [sflag:s10], $0x3400  }
0xbb: {  	[sflag:s10] =	ssyncset.done $0x0  }
0xbc: {  	[sflag:s10] =	ssyncadd.s32 $0xFFFFCC00  }
0xbd: {  	[tilespmem:s21], [sflag:$0x1] =	stream.indirect.gather [hbm4b:s4+s23], $0x80, s3, s23, $0xb8;
	[tilespmem:$0x1DD80] =	vst v63  }
0xbe: {  	_ =	swait.ge [sflag:s11], $0x3400  }
0xbf: {  	[sflag:s11] =	ssyncset.done $0x0  }
0xc0: {  	p1 =	sne.s32 s5, $0xE00;
	[sflag:s11] =	ssyncadd.s32 $0xFFFFCC00  }
0xc1: {  	[tilespmem:s25], [sflag:$0x2] =	stream.indirect.gather [hbm4b:s4+s23], $0x80, s24, s23, $0xb8;
	[tilespmem:$0x1DD80] =	vst v63  }
.Ltmp1:
0xc2: {  	_ = 	snop;
	(pc) =	sbr.rel @p1 .LBB2_4-.Ltmp1, $4  }
0xc3: {  	_ =	swait.ge [sflag:s14], $0x3400  }
0xc4: {  	[sflag:s14] =	ssyncset.done $0x0;
	s22 =	rddreg [dreg:$0x3]  }
0xc5: {  	s5 =	sadd.s32 $0x100, s5;
	[sflag:s14] =	ssyncadd.s32 $0xFFFFCC00;
	s12 =	sadd.s32 s12, s22  }
0xc6: {  	[tilespmem:s28], [sflag:$0x3] =	stream.indirect.gather [hbm4b:s4+s23], $0x80, s26, s23, $0xb8;
	[tilespmem:$0x1DD80] =	vst v63  }
0xc7: {  	[tilespmem:s29], [sflag:$0x8] =	stream.linear.gather [hbm4b:s12+s3], $0x300, $0x38;
	[tilespmem:$0x1DD80] =	vst v63  }
0xc8: {  	_ =	swait.ge [sflag:s30], $0x3400  }
0xc9: {  	[sflag:s30] =	ssyncset.done $0x0  }
0xca: {  	[sflag:s30] =	ssyncadd.s32 $0xFFFFCC00  }
0xcb: {  	[spmem:s1] =	stream.indirect.scatter.add.f32 [tilespmem:s21], [sflag:$0x4], $0x80, s31, s23, $0xb8;
	[tilespmem:$0x1DD80] =	vst v63  }
0xcc: {  	_ =	swait.ge [sflag:s0], $0x3400  }
0xcd: {  	[sflag:s0] =	ssyncset.done $0x0  }
0xce: {  	[sflag:s0] =	ssyncadd.s32 $0xFFFFCC00  }
0xcf: {  	[spmem:s1] =	stream.indirect.scatter.add.f32 [tilespmem:s25], [sflag:$0x5], $0x80, s2, s23, $0xb8;
	[tilespmem:$0x1DD80] =	vst v63  }
0xd0: {  	_ =	swait.ge [sflag:s7], $0x3400  }
0xd1: {  	[sflag:s7] =	ssyncset.done $0x0  }
0xd2: {  	[sflag:s7] =	ssyncadd.s32 $0xFFFFCC00  }
0xd3: {  	[spmem:s1] =	stream.indirect.scatter.add.f32 [tilespmem:s28], [sflag:$0x6], $0x80, s8, s23, $0xb8;
	[tilespmem:$0x1DD80] =	vst v63  }
0xd4: {  	_ =	swait.ge [sflag:s9], $0x300  }
0xd5: {  	[sflag:s9] =	ssyncset.done $0x0  }
0xd6: {  	[sflag:s9] =	ssyncadd.s32 $0xFFFFFD00  }
0xd7: {  	_ =	swait.ge [sflag:s10], $0x3400  }
0xd8: {  	[sflag:s10] =	ssyncset.done $0x0  }
0xd9: {  	[sflag:s10] =	ssyncadd.s32 $0xFFFFCC00  }
0xda: {  	[tilespmem:s21], [sflag:$0x1] =	stream.indirect.gather [hbm4b:s4+s23], $0x80, s29, s23, $0xb8;
	[tilespmem:$0x1DD80] =	vst v63  }
0xdb: {  	_ =	swait.ge [sflag:s11], $0x3400  }
0xdc: {  	[sflag:s11] =	ssyncset.done $0x0  }
0xdd: {  	[sflag:s11] =	ssyncadd.s32 $0xFFFFCC00  }
0xde: {  	[tilespmem:s25], [sflag:$0x2] =	stream.indirect.gather [hbm4b:s4+s23], $0x80, s13, s23, $0xb8;
	[tilespmem:$0x1DD80] =	vst v63  }
0xdf: {  	_ =	swait.ge [sflag:s14], $0x3400  }
0xe0: {  	[sflag:s14] =	ssyncset.done $0x0  }
0xe1: {  	[sflag:s14] =	ssyncadd.s32 $0xFFFFCC00  }
0xe2: {  	[tilespmem:s28], [sflag:$0x3] =	stream.indirect.gather [hbm4b:s4+s23], $0x80, s15, s23, $0xb8;
	[tilespmem:$0x1DD80] =	vst v63  }
0xe3: {  	s5 =	rddreg [dreg:$0x7]  }
0xe4: {  	[tilespmem:s3], [sflag:$0x7] =	stream.linear.gather [hbm4b:s5+s3], $0x300, $0x38;
	[tilespmem:$0x1DD80] =	vst v63  }
0xe5: {  	_ =	swait.ge [sflag:s30], $0x3400  }
0xe6: {  	[sflag:s30] =	ssyncset.done $0x0  }
0xe7: {  	[sflag:s30] =	ssyncadd.s32 $0xFFFFCC00  }
0xe8: {  	[spmem:s1] =	stream.indirect.scatter.add.f32 [tilespmem:s21], [sflag:$0x4], $0x80, s16, s23, $0xb8;
	[tilespmem:$0x1DD80] =	vst v63  }
0xe9: {  	_ =	swait.ge [sflag:s0], $0x3400  }
0xea: {  	[sflag:s0] =	ssyncset.done $0x0  }
0xeb: {  	[sflag:s0] =	ssyncadd.s32 $0xFFFFCC00  }
0xec: {  	[spmem:s1] =	stream.indirect.scatter.add.f32 [tilespmem:s25], [sflag:$0x5], $0x80, s17, s23, $0xb8;
	[tilespmem:$0x1DD80] =	vst v63  }
0xed: {  	_ =	swait.ge [sflag:s7], $0x3400  }
0xee: {  	[sflag:s7] =	ssyncset.done $0x0  }
0xef: {  	[sflag:s7] =	ssyncadd.s32 $0xFFFFCC00  }
0xf0: {  	[spmem:s1] =	stream.indirect.scatter.add.f32 [tilespmem:s28], [sflag:$0x6], $0x80, s6, s23, $0xb8;
	[tilespmem:$0x1DD80] =	vst v63  }
0xf1: {  	_ =	swait.ge [sflag:s10], $0x3400  }
0xf2: {  	[sflag:s10] =	ssyncset.done $0x0  }
0xf3: {  	[sflag:s10] =	ssyncadd.s32 $0xFFFFCC00  }
0xf4: {  	_ =	swait.ge [sflag:s11], $0x3400  }
0xf5: {  	[sflag:s11] =	ssyncset.done $0x0  }
0xf6: {  	[sflag:s11] =	ssyncadd.s32 $0xFFFFCC00  }
0xf7: {  	_ =	swait.ge [sflag:s14], $0x3400  }
0xf8: {  	[sflag:s14] =	ssyncset.done $0x0  }
0xf9: {  	[sflag:s14] =	ssyncadd.s32 $0xFFFFCC00  }
0xfa: {  	_ =	swait.ge [sflag:s18], $0x300  }
0xfb: {  	[sflag:s18] =	ssyncset.done $0x0  }
0xfc: {  	s12 =	simm.s32 $0x800;
	s22 =	rddreg [dreg:$0x8];
	[sflag:s18] =	ssyncadd.s32 $0xFFFFFD00  }
0xfd: {  	[tilespmem:s12], [sflag:$0x9] =	stream.linear.gather [hbm4b:s22+s3], $0x10, $0x38;
	[tilespmem:$0x1DD80] =	vst v63  }
0xfe: {  	s22 =	simm.s32 $0x9  }
0xff: {  	_ =	swait.ge [sflag:s22], $0x10  }
0x100: {  	[sflag:s22] =	ssyncset.done $0x0  }
0x101: {  	s19 =	simm.s32 $0x10;
	[sflag:s22] =	ssyncadd.s32 $0xFFFFFFF0  }
0x102: {  	[tilespmem:s21], [sflag:$0x1] =	stream.indirect.gather [hbm4b:s4+s19], $0x80, s12, s19, $0xb8;
	[tilespmem:$0x1DD80] =	vst v63  }
0x103: {  	_ =	swait.ge [sflag:s30], $0x800  }
0x104: {  	[sflag:s30] =	ssyncset.done $0x0  }
0x105: {  	s12 =	simm.s32 $0x880;
	s5 =	rddreg [dreg:$0x9];
	[sflag:s30] =	ssyncadd.s32 $0xFFFFF800  }
0x106: {  	[tilespmem:s12], [sflag:$0x9] =	stream.linear.gather [hbm4b:s5+s3], $0x10, $0x38;
	[tilespmem:$0x1DD80] =	vst v63  }
0x107: {  	_ =	swait.ge [sflag:s22], $0x10  }
0x108: {  	[sflag:s22] =	ssyncset.done $0x0  }
0x109: {  	[sflag:s22] =	ssyncadd.s32 $0xFFFFFFF0  }
0x10a: {  	[spmem:s1] =	stream.indirect.scatter.add.f32 [tilespmem:s21], [sflag:$0x9], $0x80, s12, s19, $0xb8;
	[tilespmem:$0x1DD80] =	vst v63  }
0x10b: {  	_ =	swait.ge [sflag:s22], $0x800  }
0x10c: {  	[sflag:s22] =	ssyncset.done $0x0  }
0x10d: {  	[sflag:s22] =	ssyncadd.s32 $0xFFFFF800  }
0x10e: {  	s12 =	stileid.u32;
	[bflag:$0x0] =	sbarrier.arrive $0xFFFF  }
0x10f: {  	s5 =	sshll.u32 s12, $0x6;
	s19 =	rddreg [dreg:$0xb]  }
0x110: {  	s5 =	sor.u32 $0x1C09, s5;
	s12 =	sshrl.u32 s19, $0x3;
	s19 =	rddreg [dreg:$0xa]  }
0x111: {  	[hbm:s19], [sflag:s5] =	dma.local [spmem:s12], $0x2700  }
0x112: {  	_ =	swait.ge [sflag:s22], $0x2700  }
0x113: {  	[sflag:s22] =	ssyncset.done $0x0  }
0x114: {  	[sflag:s22] =	ssyncadd.s32 $0xFFFFD900;
	s22 =	rddreg [dreg:$0x4]  }
0x115: {  	s19 =	rddreg [dreg:$0xc];
	s12 =	sshrl.u32 @!p0 s22, $0x3  }
0x116: {  	[hbm:s19], [sflag:s5] =	dma.local @!p0 [spmem:s12], $0x100  }
0x117: {  	s5 =	simm.s32 @!p0 $0x9  }
0x118: {  	_ =	swait.ge @!p0 [sflag:s5], $0x100  }
0x119: {  	s12 =	rddreg [dreg:$0x13]  }
0x11a: {  	s22 =	rddreg [dreg:$0xd];
	s19 =	sadd.s32 $0x1, s12  }
0x11b: {  	p1 =	sne.s32 s19, s22  }
.Ltmp2:
0x11c: {  	_ = 	snop;
	(pc) =	sbr.rel @p1 .LBB2_1-.Ltmp2, $3  }
0x11d: {  	_ =	sdelay $0x1  }
0x11e: {  	[sflag:s5] =	ssyncset.done @!p0 $0x0  }
0x11f: {  	[sflag:s5] =	ssyncadd.s32 @!p0 $0xFFFFFF00  }
0x120: {  	_ =	sfence.sel $0x180000  }
0x121: {  	[bflag:$0x0] =	sbarrier.arrive $0xFFFF  }
0x122: {  	_ =	strace $0x9000004A  }
0x123: {  	s0 =	stileid.u32;
	[bflag:$0x2] =	sbarrier.arrive $0xFFFF  }
0x124: {  	p0 =	sne.s32 s0, $0x0;
	s0 =	rddreg [dreg:$0x2]  }
0x125: {  	s0 =	sadd.s32 @!p0 $0x100000, s0  }
0x126: {  	[sflag:s0] =	ssyncadd.tile.s32 @!p0 $0x1;
	_ =	shalt  }
.Lfunc_end2:
_tile_overlayer_lowered:
.L_overlay_start_2:
0x127: {  	(tag) =	ssettag $0x2  }
0x128: {  	s0 =	rddreg [dreg:$0x0];
	s2 =	stileid.u32  }
0x129: {  	s1 =	rddreg [dreg:$0x1];
	p0 =	sne.s32 s2, $0x0  }
0x12a: {  	s3 =	rddreg [dreg:$0x2];
	[bflag:$0x3] =	sbarrier.arrive $0xFFFF;
	s2 =	simm.s32 @!p0 $0x1C09  }
0x12b: {  	[timem:s3], [sflag:s2] =	dma.local @!p0 [hbm:s0], s1  }
0x12c: {  	s0 =	simm.s32 @!p0 $0x9  }
0x12d: {  	_ =	swait.ge @!p0 [sflag:s0], s1  }
0x12e: {  	s1 =	ssub.s32 @!p0 $0x0, s1;
	[sflag:s0] =	ssyncset.done @!p0 $0x0  }
0x12f: {  	[sflag:s0] =	ssyncadd.s32 @!p0 s1  }
0x130: {  	[bflag:$0x3] =	sbarrier.arrive $0xFFFF  }
0x131: {  	_ =	shalt  }

</sc_bundles>
